<compile_context>
chip_gen: v7x
topology: tpu7x:2x2x1
jax: 0.10.2.dev20260603
libtpu: 0.0.44.dev20260713+nightly
codegen_flags: <defaults>
</compile_context>

<pallas_src>
import functools

import jax
import jax.numpy as jnp
import numpy as np
from jax import lax
from jax.experimental import pallas as pl
from jax.experimental.pallas import tpu as pltpu
from jax.experimental.pallas import tpu_sc as plsc

_NB, _NT, _NR, _NC = 8, 128, 64, 64
_CORES, _SUBCORES, _LANES = 2, 16, 16
_NW = _CORES * _SUBCORES
_PAIRS = _NB * _NR
_PPW = _PAIRS // _NW
_GROUPS = _NC // _LANES
_BIG = float(np.float32(3.0e38))
_CSQ = float(np.float32(0.001) * np.float32(0.001))
_NROWS = _NT + 2
_CUM_UNROLL = 4
_MERGE_UNROLL = 8
_NSTEPS = 256


def _tile_body(x_hbm, y_hbm, out_hbm, xbuf, ybuf, abuf, bbuf, wstage,
               semx, semy):
    wid = lax.axis_index("s") * _CORES + lax.axis_index("c")
    lane = lax.iota(jnp.int32, _LANES)

    def issue(p, parity):
        pair = wid * _PPW + p
        b = pair // _NR
        r = pair - b * _NR
        pltpu.async_copy(x_hbm.at[b, :, r, :], xbuf.at[parity], semx)
        pltpu.async_copy(y_hbm.at[b, :, r, :], ybuf.at[parity], semy)

    issue(0, 0)

    def do_pair(p, w_acc):
        parity = lax.rem(p, 2)
        pltpu.make_async_copy(x_hbm.at[0, :, 0, :], xbuf.at[parity], semx).wait()
        pltpu.make_async_copy(y_hbm.at[0, :, 0, :], ybuf.at[parity], semy).wait()

        @pl.when(p + 1 < _PPW)
        def _():
            issue(p + 1, 1 - parity)

        def cum_step(tt, accs):
            for u in range(_CUM_UNROLL):
                t = tt * _CUM_UNROLL + u
                out = []
                for g in range(_GROUPS):
                    sl = pl.ds(g * _LANES, _LANES)
                    fl = pl.ds(t * _NC + g * _LANES, _LANES)
                    xa = xbuf[parity, t, sl]
                    aa = accs[g] + xa * xa
                    abuf[fl] = aa
                    ya = ybuf[parity, t, sl]
                    bb = accs[_GROUPS + g] + ya * ya
                    bbuf[fl] = bb
                    out.append(aa)
                    out.append(bb)
                accs = tuple(out[0::2]) + tuple(out[1::2])
            return accs

        zeros = tuple(jnp.zeros((_LANES,), jnp.float32) for _ in range(2 * _GROUPS))
        totals = lax.fori_loop(0, _NT // _CUM_UNROLL, cum_step, zeros)

        big = jnp.full((_LANES,), _BIG, jnp.float32)
        for g in range(_GROUPS):
            for row in (_NT - 1, _NT, _NT + 1):
                fl = pl.ds(row * _NC + g * _LANES, _LANES)
                abuf[fl] = big
                bbuf[fl] = big

        cols = [jnp.int32(g * _LANES) + lane for g in range(_GROUPS)]
        fone = jnp.float32(1.0)

        def one_step(g, st):
            ai, bi, av, bv, df, qprev, wv = st
            an = plsc.load_gather(abuf, [ai + _NC])
            bn = plsc.load_gather(bbuf, [bi + _NC])
            take_a = av <= bv
            q = jnp.minimum(av, bv)
            wv = wv + (q - qprev) * df * df
            ai = jnp.where(take_a, ai + _NC, ai)
            bi = jnp.where(take_a, bi, bi + _NC)
            df = df + jnp.where(take_a, fone, -fone)
            av = jnp.where(take_a, an, av)
            bv = jnp.where(take_a, bv, bn)
            return ai, bi, av, bv, df, q, wv

        def merge_step(_, sts):
            for u in range(_MERGE_UNROLL):
                sts = tuple(one_step(g, sts[g]) for g in range(_GROUPS))
            return sts

        init = []
        for g in range(_GROUPS):
            av0 = plsc.load_gather(abuf, [cols[g]])
            bv0 = plsc.load_gather(bbuf, [cols[g]])
            init.append((cols[g], cols[g], av0, bv0,
                         jnp.zeros((_LANES,), jnp.float32),
                         jnp.zeros((_LANES,), jnp.float32),
                         jnp.zeros((_LANES,), jnp.float32)))
        sts = lax.fori_loop(0, _NSTEPS // _MERGE_UNROLL, merge_step, tuple(init))

        for g in range(_GROUPS):
            valid = (totals[g] != 0.0) & (totals[_GROUPS + g] != 0.0)
            w_acc = w_acc + jnp.where(valid, sts[g][6],
                                      jnp.zeros((_LANES,), jnp.float32))
        return w_acc

    w_acc = lax.fori_loop(0, _PPW, do_pair, jnp.zeros((_LANES,), jnp.float32))
    wstage[...] = w_acc * _CSQ
    pltpu.sync_copy(wstage, out_hbm.at[wid])


@jax.jit
def kernel(x, y):
    mesh = plsc.VectorSubcoreMesh(
        core_axis_name="c", subcore_axis_name="s",
        num_cores=_CORES, num_subcores=_SUBCORES,
    )
    run = functools.partial(
        pl.kernel,
        out_type=jax.ShapeDtypeStruct((_NW, _LANES), jnp.float32),
        mesh=mesh,
        compiler_params=pltpu.CompilerParams(needs_layout_passes=False),
        scratch_types=[
            pltpu.VMEM((2, _NT, _NC), jnp.float32),
            pltpu.VMEM((2, _NT, _NC), jnp.float32),
            pltpu.VMEM((_NROWS * _NC,), jnp.float32),
            pltpu.VMEM((_NROWS * _NC,), jnp.float32),
            pltpu.VMEM((_LANES,), jnp.float32),
            pltpu.SemaphoreType.DMA,
            pltpu.SemaphoreType.DMA,
        ],
    )(_tile_body)
    partials = run(x, y)
    return jnp.sum(partials)

# --- scband reference (transcript-rebuilt; emitter-appended) ---
"""Pipeline reference for scband-wasserstein1d-33268816675512 (READ-ONLY COPY).

The authoritative reference and input builder live on the scoring server;
editing this copy changes nothing except your own understanding.
"""

import jax, jax.numpy as jnp
import numpy as np

NB, NT, NR, NC = 8, 128, 64, 64


def _w1d_pair(px, py, t):
    # Faithful port of ot.wasserstein_1d(t, t, px, py, p=2, require_sort=True).
    # t is already sorted (linspace), so require_sort is a no-op on the support.
    n = t.shape[0]
    m_u = jnp.cumsum(px)
    m_v = jnp.cumsum(py)
    qs = jnp.sort(jnp.concatenate([m_u, m_v]))
    idx_u = jnp.clip(jnp.searchsorted(m_u, qs, side='left'), 0, n - 1)
    idx_v = jnp.clip(jnp.searchsorted(m_v, qs, side='left'), 0, n - 1)
    u_quantiles = jnp.take(t, idx_u)
    v_quantiles = jnp.take(t, idx_v)
    qs_pad = jnp.concatenate([jnp.zeros((1,), dtype=qs.dtype), qs])
    delta = qs_pad[1:] - qs_pad[:-1]
    diff_quantiles = jnp.abs(u_quantiles - v_quantiles)
    w = jnp.sum(delta * diff_quantiles ** 2)
    valid = (jnp.sum(px) != 0) & (jnp.sum(py) != 0)
    return jnp.where(valid, w, jnp.zeros((), dtype=w.dtype))


def setup_inputs(seed: int = 0) -> dict:
    key = jax.random.key(seed)
    k1, k2 = jax.random.split(key)
    x = jax.random.normal(k1, (NB, NT, NR, NC), dtype=jnp.float32)
    y = jax.random.normal(k2, (NB, NT, NR, NC), dtype=jnp.float32)
    return {"x": x, "y": y}


def reference(x, y):
    nt = x.shape[1]
    t = jnp.linspace(0.0, nt - 1, nt, dtype=x.dtype) * 0.001
    x2 = x ** 2
    y2 = y ** 2
    # (nb, nt, nr, nc) -> (nb*nr*nc, nt): one 1D problem per (b, r, c)
    px = jnp.transpose(x2, (0, 2, 3, 1)).reshape(-1, nt)
    py = jnp.transpose(y2, (0, 2, 3, 1)).reshape(-1, nt)
    losses = jax.vmap(_w1d_pair, in_axes=(0, 0, None))(px, py, t)
    return jnp.sum(losses)

if __name__ == "__main__":
    import jax
    _d = setup_inputs()
    print(jax.jit(kernel)(*tuple(_d.values())))

</pallas_src>

<mosaic_0001>
#map = affine_map<(d0, d1) -> (0, 0, 0, 0)>
#map1 = affine_map<(d0, d1) -> (0, 0)>
module attributes {stable_mosaic.version = 14 : i64} {
  func.func @_tile_body(%arg0: i32, %arg1: i32, %arg2: memref<8x128x64x64xf32, #tpu.memory_space<hbm>>, %arg3: memref<8x128x64x64xf32, #tpu.memory_space<hbm>>, %arg4: memref<32x16xf32, #tpu.memory_space<hbm>>, %arg5: memref<2x128x64xf32, #tpu.memory_space<vmem>>, %arg6: memref<2x128x64xf32, #tpu.memory_space<vmem>>, %arg7: memref<8320xf32, #tpu.memory_space<vmem>>, %arg8: memref<8320xf32, #tpu.memory_space<vmem>>, %arg9: memref<16xf32, #tpu.memory_space<vmem>>, %arg10: memref<!tpu.dma_semaphore, #tpu.memory_space<semaphore_mem>>, %arg11: memref<!tpu.dma_semaphore, #tpu.memory_space<semaphore_mem>>) attributes {dimension_semantics = [#tpu.dimension_semantics<core_parallel>, #tpu.dimension_semantics<subcore_parallel>], iteration_bounds = array<i64: 2, 16>, scalar_prefetch = 0 : i64, scratch_operands = 7 : i64, tpu.core_type = #tpu.core_type<sc_vector_subcore>, window_params = [{transform_indices = #map}, {transform_indices = #map}, {transform_indices = #map1}]} {
    %mul3A = arith.constant 2 : i32
    %mul3A_0 = arith.muli %arg1, %mul3A : i32
    %add3A = arith.addi %mul3A_0, %arg0 : i32
    %iota3A = tpu.iota {dimensions = array<i32: 0>} : vector<16xi32>
    %mul3A_1 = arith.constant 16 : i32
    %mul3A_2 = arith.muli %add3A, %mul3A_1 : i32
    %add3A_3 = arith.constant 0 : i32
    %add3A_4 = arith.addi %mul3A_2, %add3A_3 : i32
    %jit3A = arith.constant 64 : i32
    %div3A = arith.divsi %add3A_4, %jit3A : i32
    %sign3A = arith.constant 0 : i32
    %sign3A_5 = arith.cmpi sgt, %add3A_4, %sign3A : i32
    %sign3A_6 = arith.extui %sign3A_5 : i1 to i32
    %sign3A_7 = arith.constant 0 : i32
    %sign3A_8 = arith.cmpi slt, %add3A_4, %sign3A_7 : i32
    %sign3A_9 = arith.extui %sign3A_8 : i1 to i32
    %sign3A_10 = arith.subi %sign3A_6, %sign3A_9 : i32
    %sign3A_11 = arith.constant 0 : i32
    %sign3A_12 = arith.cmpi sgt, %jit3A, %sign3A_11 : i32
    %sign3A_13 = arith.extui %sign3A_12 : i1 to i32
    %sign3A_14 = arith.constant 0 : i32
    %sign3A_15 = arith.cmpi slt, %jit3A, %sign3A_14 : i32
    %sign3A_16 = arith.extui %sign3A_15 : i1 to i32
    %sign3A_17 = arith.subi %sign3A_13, %sign3A_16 : i32
    %ne3A = arith.cmpi ne, %sign3A_10, %sign3A_17 : i32
    %rem3A = arith.remsi %add3A_4, %jit3A : i32
    %ne3A_18 = arith.constant 0 : i32
    %ne3A_19 = arith.cmpi ne, %rem3A, %ne3A_18 : i32
    %and3A = arith.andi %ne3A, %ne3A_19 : i1
    %sub3A = arith.constant 1 : i32
    %sub3A_20 = arith.subi %div3A, %sub3A : i32
    %select_n3A = arith.select %and3A, %sub3A_20, %div3A : i32
    %mul3A_21 = arith.constant 64 : i32
    %mul3A_22 = arith.muli %select_n3A, %mul3A_21 : i32
    %sub3A_23 = arith.subi %add3A_4, %mul3A_22 : i32
    %dma_start3A = arith.constant 0 : i32
    %dma_start3A_24 = arith.constant 0 : i32
    %dma_start3A_25 = arith.constant 0 : i32
    %dma_start3A_26 = tpu.memref_slice %arg5[%dma_start3A, %dma_start3A_24, %dma_start3A_25] : memref<2x128x64xf32, #tpu.memory_space<vmem>> -> memref<1x128x64xf32, #tpu.memory_space<vmem>>
    %dma_start3A_27 = tpu.memref_squeeze %dma_start3A_26 : memref<1x128x64xf32, #tpu.memory_space<vmem>> -> memref<128x64xf32, #tpu.memory_space<vmem>>
    %dma_start3A_28 = arith.constant 0 : i32
    %dma_start3A_29 = arith.constant 0 : i32
    %dma_start3A_30 = tpu.memref_slice %arg2[%select_n3A, %dma_start3A_28, %sub3A_23, %dma_start3A_29] : memref<8x128x64x64xf32, #tpu.memory_space<hbm>> -> memref<1x128x1x64xf32, #tpu.memory_space<hbm>>
    %dma_start3A_31 = tpu.memref_squeeze %dma_start3A_30 : memref<1x128x1x64xf32, #tpu.memory_space<hbm>> -> memref<128x64xf32, #tpu.memory_space<hbm>>
    %dma_start3A_32 = arith.constant 0 : i32
    %dma_start3A_33 = arith.constant 0 : i32
    %dma_start3A_34 = tpu.memref_slice %arg5[%dma_start3A, %dma_start3A_32, %dma_start3A_33] : memref<2x128x64xf32, #tpu.memory_space<vmem>> -> memref<1x128x64xf32, #tpu.memory_space<vmem>>
    %dma_start3A_35 = tpu.memref_squeeze %dma_start3A_34 : memref<1x128x64xf32, #tpu.memory_space<vmem>> -> memref<128x64xf32, #tpu.memory_space<vmem>>
    %dma_start3A_36 = arith.constant 0 : i32
    %dma_start3A_37 = arith.constant 0 : i32
    %dma_start3A_38 = tpu.memref_slice %arg2[%select_n3A, %dma_start3A_36, %sub3A_23, %dma_start3A_37] : memref<8x128x64x64xf32, #tpu.memory_space<hbm>> -> memref<1x128x1x64xf32, #tpu.memory_space<hbm>>
    %dma_start3A_39 = tpu.memref_squeeze %dma_start3A_38 : memref<1x128x1x64xf32, #tpu.memory_space<hbm>> -> memref<128x64xf32, #tpu.memory_space<hbm>>
    tpu.enqueue_dma source(%dma_start3A_39 : memref<128x64xf32, #tpu.memory_space<hbm>>) target(%dma_start3A_35 : memref<128x64xf32, #tpu.memory_space<vmem>>) target_semaphore(%arg10 : memref<!tpu.dma_semaphore, #tpu.memory_space<semaphore_mem>>)
    %dma_start3A_40 = arith.constant 0 : i32
    %dma_start3A_41 = arith.constant 0 : i32
    %dma_start3A_42 = arith.constant 0 : i32
    %dma_start3A_43 = tpu.memref_slice %arg6[%dma_start3A_40, %dma_start3A_41, %dma_start3A_42] : memref<2x128x64xf32, #tpu.memory_space<vmem>> -> memref<1x128x64xf32, #tpu.memory_space<vmem>>
    %dma_start3A_44 = tpu.memref_squeeze %dma_start3A_43 : memref<1x128x64xf32, #tpu.memory_space<vmem>> -> memref<128x64xf32, #tpu.memory_space<vmem>>
    %dma_start3A_45 = arith.constant 0 : i32
    %dma_start3A_46 = arith.constant 0 : i32
    %dma_start3A_47 = tpu.memref_slice %arg3[%select_n3A, %dma_start3A_45, %sub3A_23, %dma_start3A_46] : memref<8x128x64x64xf32, #tpu.memory_space<hbm>> -> memref<1x128x1x64xf32, #tpu.memory_space<hbm>>
    %dma_start3A_48 = tpu.memref_squeeze %dma_start3A_47 : memref<1x128x1x64xf32, #tpu.memory_space<hbm>> -> memref<128x64xf32, #tpu.memory_space<hbm>>
    %dma_start3A_49 = arith.constant 0 : i32
    %dma_start3A_50 = arith.constant 0 : i32
    %dma_start3A_51 = tpu.memref_slice %arg6[%dma_start3A_40, %dma_start3A_49, %dma_start3A_50] : memref<2x128x64xf32, #tpu.memory_space<vmem>> -> memref<1x128x64xf32, #tpu.memory_space<vmem>>
    %dma_start3A_52 = tpu.memref_squeeze %dma_start3A_51 : memref<1x128x64xf32, #tpu.memory_space<vmem>> -> memref<128x64xf32, #tpu.memory_space<vmem>>
    %dma_start3A_53 = arith.constant 0 : i32
    %dma_start3A_54 = arith.constant 0 : i32
    %dma_start3A_55 = tpu.memref_slice %arg3[%select_n3A, %dma_start3A_53, %sub3A_23, %dma_start3A_54] : memref<8x128x64x64xf32, #tpu.memory_space<hbm>> -> memref<1x128x1x64xf32, #tpu.memory_space<hbm>>
    %dma_start3A_56 = tpu.memref_squeeze %dma_start3A_55 : memref<1x128x1x64xf32, #tpu.memory_space<hbm>> -> memref<128x64xf32, #tpu.memory_space<hbm>>
    tpu.enqueue_dma source(%dma_start3A_56 : memref<128x64xf32, #tpu.memory_space<hbm>>) target(%dma_start3A_52 : memref<128x64xf32, #tpu.memory_space<vmem>>) target_semaphore(%arg11 : memref<!tpu.dma_semaphore, #tpu.memory_space<semaphore_mem>>)
    %broadcast_in_dim3A = arith.constant 0.000000e+00 : f32
    %broadcast_in_dim3A_57 = vector.broadcast %broadcast_in_dim3A : f32 to vector<16xf32>
    %scan3A = arith.constant 0 : i32
    %scan3A_58 = arith.constant 16 : i32
    %scan3A_59 = arith.addi %scan3A, %scan3A_58 : i32
    %scan3A_60 = arith.constant 1 : i32
    %scan3A_61 = scf.for %scan3A_67 = %scan3A to %scan3A_59 step %scan3A_60 iter_args(%scan3A_68 = %broadcast_in_dim3A_57) -> (vector<16xf32>)  : i32 {
      %rem3A_69 = arith.constant 2 : i32
      %rem3A_70 = arith.remsi %scan3A_67, %rem3A_69 : i32
      %dma_wait3A = arith.constant 0 : i32
      %dma_wait3A_71 = arith.constant 0 : i32
      %dma_wait3A_72 = arith.constant 0 : i32
      %dma_wait3A_73 = arith.constant 0 : i32
      %dma_wait3A_74 = tpu.memref_slice %arg5[%rem3A_70, %dma_wait3A_72, %dma_wait3A_73] : memref<2x128x64xf32, #tpu.memory_space<vmem>> -> memref<1x128x64xf32, #tpu.memory_space<vmem>>
      %dma_wait3A_75 = tpu.memref_squeeze %dma_wait3A_74 : memref<1x128x64xf32, #tpu.memory_space<vmem>> -> memref<128x64xf32, #tpu.memory_space<vmem>>
      %dma_wait3A_76 = arith.constant 0 : i32
      %dma_wait3A_77 = arith.constant 0 : i32
      %dma_wait3A_78 = tpu.memref_slice %arg2[%dma_wait3A, %dma_wait3A_76, %dma_wait3A_71, %dma_wait3A_77] : memref<8x128x64x64xf32, #tpu.memory_space<hbm>> -> memref<1x128x1x64xf32, #tpu.memory_space<hbm>>
      %dma_wait3A_79 = tpu.memref_squeeze %dma_wait3A_78 : memref<1x128x1x64xf32, #tpu.memory_space<hbm>> -> memref<128x64xf32, #tpu.memory_space<hbm>>
      %dma_wait3A_80 = arith.constant 0 : i32
      %dma_wait3A_81 = arith.constant 0 : i32
      %dma_wait3A_82 = tpu.memref_slice %arg5[%rem3A_70, %dma_wait3A_80, %dma_wait3A_81] : memref<2x128x64xf32, #tpu.memory_space<vmem>> -> memref<1x128x64xf32, #tpu.memory_space<vmem>>
      %dma_wait3A_83 = tpu.memref_squeeze %dma_wait3A_82 : memref<1x128x64xf32, #tpu.memory_space<vmem>> -> memref<128x64xf32, #tpu.memory_space<vmem>>
      %dma_wait3A_84 = arith.constant 0 : i32
      %dma_wait3A_85 = arith.constant 0 : i32
      %dma_wait3A_86 = tpu.memref_slice %arg2[%dma_wait3A, %dma_wait3A_84, %dma_wait3A_71, %dma_wait3A_85] : memref<8x128x64x64xf32, #tpu.memory_space<hbm>> -> memref<1x128x1x64xf32, #tpu.memory_space<hbm>>
      %dma_wait3A_87 = tpu.memref_squeeze %dma_wait3A_86 : memref<1x128x1x64xf32, #tpu.memory_space<hbm>> -> memref<128x64xf32, #tpu.memory_space<hbm>>
      tpu.wait_dma2 semaphore(%arg10 : memref<!tpu.dma_semaphore, #tpu.memory_space<semaphore_mem>>) src(%dma_wait3A_87 : memref<128x64xf32, #tpu.memory_space<hbm>>) dst(%dma_wait3A_83 : memref<128x64xf32, #tpu.memory_space<vmem>>)
      %dma_wait3A_88 = arith.constant 0 : i32
      %dma_wait3A_89 = arith.constant 0 : i32
      %dma_wait3A_90 = arith.constant 0 : i32
      %dma_wait3A_91 = arith.constant 0 : i32
      %dma_wait3A_92 = tpu.memref_slice %arg6[%rem3A_70, %dma_wait3A_90, %dma_wait3A_91] : memref<2x128x64xf32, #tpu.memory_space<vmem>> -> memref<1x128x64xf32, #tpu.memory_space<vmem>>
      %dma_wait3A_93 = tpu.memref_squeeze %dma_wait3A_92 : memref<1x128x64xf32, #tpu.memory_space<vmem>> -> memref<128x64xf32, #tpu.memory_space<vmem>>
      %dma_wait3A_94 = arith.constant 0 : i32
      %dma_wait3A_95 = arith.constant 0 : i32
      %dma_wait3A_96 = tpu.memref_slice %arg3[%dma_wait3A_88, %dma_wait3A_94, %dma_wait3A_89, %dma_wait3A_95] : memref<8x128x64x64xf32, #tpu.memory_space<hbm>> -> memref<1x128x1x64xf32, #tpu.memory_space<hbm>>
      %dma_wait3A_97 = tpu.memref_squeeze %dma_wait3A_96 : memref<1x128x1x64xf32, #tpu.memory_space<hbm>> -> memref<128x64xf32, #tpu.memory_space<hbm>>
      %dma_wait3A_98 = arith.constant 0 : i32
      %dma_wait3A_99 = arith.constant 0 : i32
      %dma_wait3A_100 = tpu.memref_slice %arg6[%rem3A_70, %dma_wait3A_98, %dma_wait3A_99] : memref<2x128x64xf32, #tpu.memory_space<vmem>> -> memref<1x128x64xf32, #tpu.memory_space<vmem>>
      %dma_wait3A_101 = tpu.memref_squeeze %dma_wait3A_100 : memref<1x128x64xf32, #tpu.memory_space<vmem>> -> memref<128x64xf32, #tpu.memory_space<vmem>>
      %dma_wait3A_102 = arith.constant 0 : i32
      %dma_wait3A_103 = arith.constant 0 : i32
      %dma_wait3A_104 = tpu.memref_slice %arg3[%dma_wait3A_88, %dma_wait3A_102, %dma_wait3A_89, %dma_wait3A_103] : memref<8x128x64x64xf32, #tpu.memory_space<hbm>> -> memref<1x128x1x64xf32, #tpu.memory_space<hbm>>
      %dma_wait3A_105 = tpu.memref_squeeze %dma_wait3A_104 : memref<1x128x1x64xf32, #tpu.memory_space<hbm>> -> memref<128x64xf32, #tpu.memory_space<hbm>>
      tpu.wait_dma2 semaphore(%arg11 : memref<!tpu.dma_semaphore, #tpu.memory_space<semaphore_mem>>) src(%dma_wait3A_105 : memref<128x64xf32, #tpu.memory_space<hbm>>) dst(%dma_wait3A_101 : memref<128x64xf32, #tpu.memory_space<vmem>>)
      %add3A_106 = arith.constant 1 : i32
      %add3A_107 = arith.addi %scan3A_67, %add3A_106 : i32
      %lt3A = arith.constant 16 : i32
      %lt3A_108 = arith.cmpi slt, %add3A_107, %lt3A : i32
      %convert_element_type3A = arith.extui %lt3A_108 : i1 to i32
      %cond3A = arith.constant 0 : i32
      %cond3A_109 = arith.cmpi ne, %convert_element_type3A, %cond3A : i32
      scf.if %cond3A_109 {
        %add3A_276 = arith.constant 1 : i32
        %add3A_277 = arith.addi %scan3A_67, %add3A_276 : i32
        %sub3A_278 = arith.constant 1 : i32
        %sub3A_279 = arith.subi %sub3A_278, %rem3A_70 : i32
        %mul3A_280 = arith.constant 16 : i32
        %mul3A_281 = arith.muli %add3A, %mul3A_280 : i32
        %add3A_282 = arith.addi %mul3A_281, %add3A_277 : i32
        %jit3A_283 = arith.constant 64 : i32
        %div3A_284 = arith.divsi %add3A_282, %jit3A_283 : i32
        %sign3A_285 = arith.constant 0 : i32
        %sign3A_286 = arith.cmpi sgt, %add3A_282, %sign3A_285 : i32
        %sign3A_287 = arith.extui %sign3A_286 : i1 to i32
        %sign3A_288 = arith.constant 0 : i32
        %sign3A_289 = arith.cmpi slt, %add3A_282, %sign3A_288 : i32
        %sign3A_290 = arith.extui %sign3A_289 : i1 to i32
        %sign3A_291 = arith.subi %sign3A_287, %sign3A_290 : i32
        %sign3A_292 = arith.constant 0 : i32
        %sign3A_293 = arith.cmpi sgt, %jit3A_283, %sign3A_292 : i32
        %sign3A_294 = arith.extui %sign3A_293 : i1 to i32
        %sign3A_295 = arith.constant 0 : i32
        %sign3A_296 = arith.cmpi slt, %jit3A_283, %sign3A_295 : i32
        %sign3A_297 = arith.extui %sign3A_296 : i1 to i32
        %sign3A_298 = arith.subi %sign3A_294, %sign3A_297 : i32
        %ne3A_299 = arith.cmpi ne, %sign3A_291, %sign3A_298 : i32
        %rem3A_300 = arith.remsi %add3A_282, %jit3A_283 : i32
        %ne3A_301 = arith.constant 0 : i32
        %ne3A_302 = arith.cmpi ne, %rem3A_300, %ne3A_301 : i32
        %and3A_303 = arith.andi %ne3A_299, %ne3A_302 : i1
        %sub3A_304 = arith.constant 1 : i32
        %sub3A_305 = arith.subi %div3A_284, %sub3A_304 : i32
        %select_n3A_306 = arith.select %and3A_303, %sub3A_305, %div3A_284 : i32
        %mul3A_307 = arith.constant 64 : i32
        %mul3A_308 = arith.muli %select_n3A_306, %mul3A_307 : i32
        %sub3A_309 = arith.subi %add3A_282, %mul3A_308 : i32
        %dma_start3A_310 = arith.constant 0 : i32
        %dma_start3A_311 = arith.constant 0 : i32
        %dma_start3A_312 = tpu.memref_slice %arg5[%sub3A_279, %dma_start3A_310, %dma_start3A_311] : memref<2x128x64xf32, #tpu.memory_space<vmem>> -> memref<1x128x64xf32, #tpu.memory_space<vmem>>
        %dma_start3A_313 = tpu.memref_squeeze %dma_start3A_312 : memref<1x128x64xf32, #tpu.memory_space<vmem>> -> memref<128x64xf32, #tpu.memory_space<vmem>>
        %dma_start3A_314 = arith.constant 0 : i32
        %dma_start3A_315 = arith.constant 0 : i32
        %dma_start3A_316 = tpu.memref_slice %arg2[%select_n3A_306, %dma_start3A_314, %sub3A_309, %dma_start3A_315] : memref<8x128x64x64xf32, #tpu.memory_space<hbm>> -> memref<1x128x1x64xf32, #tpu.memory_space<hbm>>
        %dma_start3A_317 = tpu.memref_squeeze %dma_start3A_316 : memref<1x128x1x64xf32, #tpu.memory_space<hbm>> -> memref<128x64xf32, #tpu.memory_space<hbm>>
        %dma_start3A_318 = arith.constant 0 : i32
        %dma_start3A_319 = arith.constant 0 : i32
        %dma_start3A_320 = tpu.memref_slice %arg5[%sub3A_279, %dma_start3A_318, %dma_start3A_319] : memref<2x128x64xf32, #tpu.memory_space<vmem>> -> memref<1x128x64xf32, #tpu.memory_space<vmem>>
        %dma_start3A_321 = tpu.memref_squeeze %dma_start3A_320 : memref<1x128x64xf32, #tpu.memory_space<vmem>> -> memref<128x64xf32, #tpu.memory_space<vmem>>
        %dma_start3A_322 = arith.constant 0 : i32
        %dma_start3A_323 = arith.constant 0 : i32
        %dma_start3A_324 = tpu.memref_slice %arg2[%select_n3A_306, %dma_start3A_322, %sub3A_309, %dma_start3A_323] : memref<8x128x64x64xf32, #tpu.memory_space<hbm>> -> memref<1x128x1x64xf32, #tpu.memory_space<hbm>>
        %dma_start3A_325 = tpu.memref_squeeze %dma_start3A_324 : memref<1x128x1x64xf32, #tpu.memory_space<hbm>> -> memref<128x64xf32, #tpu.memory_space<hbm>>
        tpu.enqueue_dma source(%dma_start3A_325 : memref<128x64xf32, #tpu.memory_space<hbm>>) target(%dma_start3A_321 : memref<128x64xf32, #tpu.memory_space<vmem>>) target_semaphore(%arg10 : memref<!tpu.dma_semaphore, #tpu.memory_space<semaphore_mem>>)
        %dma_start3A_326 = arith.constant 0 : i32
        %dma_start3A_327 = arith.constant 0 : i32
        %dma_start3A_328 = tpu.memref_slice %arg6[%sub3A_279, %dma_start3A_326, %dma_start3A_327] : memref<2x128x64xf32, #tpu.memory_space<vmem>> -> memref<1x128x64xf32, #tpu.memory_space<vmem>>
        %dma_start3A_329 = tpu.memref_squeeze %dma_start3A_328 : memref<1x128x64xf32, #tpu.memory_space<vmem>> -> memref<128x64xf32, #tpu.memory_space<vmem>>
        %dma_start3A_330 = arith.constant 0 : i32
        %dma_start3A_331 = arith.constant 0 : i32
        %dma_start3A_332 = tpu.memref_slice %arg3[%select_n3A_306, %dma_start3A_330, %sub3A_309, %dma_start3A_331] : memref<8x128x64x64xf32, #tpu.memory_space<hbm>> -> memref<1x128x1x64xf32, #tpu.memory_space<hbm>>
        %dma_start3A_333 = tpu.memref_squeeze %dma_start3A_332 : memref<1x128x1x64xf32, #tpu.memory_space<hbm>> -> memref<128x64xf32, #tpu.memory_space<hbm>>
        %dma_start3A_334 = arith.constant 0 : i32
        %dma_start3A_335 = arith.constant 0 : i32
        %dma_start3A_336 = tpu.memref_slice %arg6[%sub3A_279, %dma_start3A_334, %dma_start3A_335] : memref<2x128x64xf32, #tpu.memory_space<vmem>> -> memref<1x128x64xf32, #tpu.memory_space<vmem>>
        %dma_start3A_337 = tpu.memref_squeeze %dma_start3A_336 : memref<1x128x64xf32, #tpu.memory_space<vmem>> -> memref<128x64xf32, #tpu.memory_space<vmem>>
        %dma_start3A_338 = arith.constant 0 : i32
        %dma_start3A_339 = arith.constant 0 : i32
        %dma_start3A_340 = tpu.memref_slice %arg3[%select_n3A_306, %dma_start3A_338, %sub3A_309, %dma_start3A_339] : memref<8x128x64x64xf32, #tpu.memory_space<hbm>> -> memref<1x128x1x64xf32, #tpu.memory_space<hbm>>
        %dma_start3A_341 = tpu.memref_squeeze %dma_start3A_340 : memref<1x128x1x64xf32, #tpu.memory_space<hbm>> -> memref<128x64xf32, #tpu.memory_space<hbm>>
        tpu.enqueue_dma source(%dma_start3A_341 : memref<128x64xf32, #tpu.memory_space<hbm>>) target(%dma_start3A_337 : memref<128x64xf32, #tpu.memory_space<vmem>>) target_semaphore(%arg11 : memref<!tpu.dma_semaphore, #tpu.memory_space<semaphore_mem>>)
      } else {
      }
      %broadcast_in_dim3A_110 = arith.constant 0.000000e+00 : f32
      %broadcast_in_dim3A_111 = vector.broadcast %broadcast_in_dim3A_110 : f32 to vector<16xf32>
      %broadcast_in_dim3A_112 = arith.constant 0.000000e+00 : f32
      %broadcast_in_dim3A_113 = vector.broadcast %broadcast_in_dim3A_112 : f32 to vector<16xf32>
      %broadcast_in_dim3A_114 = arith.constant 0.000000e+00 : f32
      %broadcast_in_dim3A_115 = vector.broadcast %broadcast_in_dim3A_114 : f32 to vector<16xf32>
      %broadcast_in_dim3A_116 = arith.constant 0.000000e+00 : f32
      %broadcast_in_dim3A_117 = vector.broadcast %broadcast_in_dim3A_116 : f32 to vector<16xf32>
      %broadcast_in_dim3A_118 = arith.constant 0.000000e+00 : f32
      %broadcast_in_dim3A_119 = vector.broadcast %broadcast_in_dim3A_118 : f32 to vector<16xf32>
      %broadcast_in_dim3A_120 = arith.constant 0.000000e+00 : f32
      %broadcast_in_dim3A_121 = vector.broadcast %broadcast_in_dim3A_120 : f32 to vector<16xf32>
      %broadcast_in_dim3A_122 = arith.constant 0.000000e+00 : f32
      %broadcast_in_dim3A_123 = vector.broadcast %broadcast_in_dim3A_122 : f32 to vector<16xf32>
      %broadcast_in_dim3A_124 = arith.constant 0.000000e+00 : f32
      %broadcast_in_dim3A_125 = vector.broadcast %broadcast_in_dim3A_124 : f32 to vector<16xf32>
      %scan3A_126 = arith.constant 0 : i32
      %scan3A_127 = arith.constant 32 : i32
      %scan3A_128 = arith.addi %scan3A_126, %scan3A_127 : i32
      %scan3A_129 = arith.constant 1 : i32
      %scan3A_130:8 = scf.for %scan3A_276 = %scan3A_126 to %scan3A_128 step %scan3A_129 iter_args(%scan3A_277 = %broadcast_in_dim3A_111, %scan3A_278 = %broadcast_in_dim3A_113, %scan3A_279 = %broadcast_in_dim3A_115, %scan3A_280 = %broadcast_in_dim3A_117, %scan3A_281 = %broadcast_in_dim3A_119, %scan3A_282 = %broadcast_in_dim3A_121, %scan3A_283 = %broadcast_in_dim3A_123, %scan3A_284 = %broadcast_in_dim3A_125) -> (vector<16xf32>, vector<16xf32>, vector<16xf32>, vector<16xf32>, vector<16xf32>, vector<16xf32>, vector<16xf32>, vector<16xf32>)  : i32 {
        %mul3A_285 = arith.constant 4 : i32
        %mul3A_286 = arith.muli %scan3A_276, %mul3A_285 : i32
        %add3A_287 = arith.constant 0 : i32
        %add3A_288 = arith.addi %mul3A_286, %add3A_287 : i32
        %mul3A_289 = arith.constant 64 : i32
        %mul3A_290 = arith.muli %add3A_288, %mul3A_289 : i32
        %add3A_291 = arith.constant 0 : i32
        %add3A_292 = arith.addi %mul3A_290, %add3A_291 : i32
        %get3A = arith.index_cast %rem3A_70 : i32 to index
        %get3A_293 = arith.index_cast %add3A_288 : i32 to index
        %get3A_294 = arith.constant 0 : index
        %get3A_295 = tpu.vector_load %arg5[%get3A, %get3A_293, %get3A_294] {strides = array<i32>} : memref<2x128x64xf32, #tpu.memory_space<vmem>>, vector<16xf32>,
        %mul3A_296 = arith.mulf %get3A_295, %get3A_295 : vector<16xf32>
        %add3A_297 = arith.addf %scan3A_277, %mul3A_296 : vector<16xf32>
        %swap3A_298 = arith.index_cast %add3A_292 : i32 to index
        %swap3A_299 = tpu.vector_load %arg7[%swap3A_298] {strides = array<i32>} : memref<8320xf32, #tpu.memory_space<vmem>>, vector<16xf32>,
        tpu.vector_store %arg7[%swap3A_298], %add3A_297 {strides = array<i32>} : memref<8320xf32, #tpu.memory_space<vmem>>, vector<16xf32>,
        %get3A_300 = arith.index_cast %rem3A_70 : i32 to index
        %get3A_301 = arith.index_cast %add3A_288 : i32 to index
        %get3A_302 = arith.constant 0 : index
        %get3A_303 = tpu.vector_load %arg6[%get3A_300, %get3A_301, %get3A_302] {strides = array<i32>} : memref<2x128x64xf32, #tpu.memory_space<vmem>>, vector<16xf32>,
        %mul3A_304 = arith.mulf %get3A_303, %get3A_303 : vector<16xf32>
        %add3A_305 = arith.addf %scan3A_281, %mul3A_304 : vector<16xf32>
        %swap3A_306 = arith.index_cast %add3A_292 : i32 to index
        %swap3A_307 = tpu.vector_load %arg8[%swap3A_306] {strides = array<i32>} : memref<8320xf32, #tpu.memory_space<vmem>>, vector<16xf32>,
        tpu.vector_store %arg8[%swap3A_306], %add3A_305 {strides = array<i32>} : memref<8320xf32, #tpu.memory_space<vmem>>, vector<16xf32>,
        %mul3A_308 = arith.constant 64 : i32
        %mul3A_309 = arith.muli %add3A_288, %mul3A_308 : i32
        %add3A_310 = arith.constant 16 : i32
        %add3A_311 = arith.addi %mul3A_309, %add3A_310 : i32
        %get3A_312 = arith.index_cast %rem3A_70 : i32 to index
        %get3A_313 = arith.index_cast %add3A_288 : i32 to index
        %get3A_314 = arith.constant 16 : index
        %get3A_315 = tpu.vector_load %arg5[%get3A_312, %get3A_313, %get3A_314] {strides = array<i32>} : memref<2x128x64xf32, #tpu.memory_space<vmem>>, vector<16xf32>,
        %mul3A_316 = arith.mulf %get3A_315, %get3A_315 : vector<16xf32>
        %add3A_317 = arith.addf %scan3A_278, %mul3A_316 : vector<16xf32>
        %swap3A_318 = arith.index_cast %add3A_311 : i32 to index
        %swap3A_319 = tpu.vector_load %arg7[%swap3A_318] {strides = array<i32>} : memref<8320xf32, #tpu.memory_space<vmem>>, vector<16xf32>,
        tpu.vector_store %arg7[%swap3A_318], %add3A_317 {strides = array<i32>} : memref<8320xf32, #tpu.memory_space<vmem>>, vector<16xf32>,
        %get3A_320 = arith.index_cast %rem3A_70 : i32 to index
        %get3A_321 = arith.index_cast %add3A_288 : i32 to index
        %get3A_322 = arith.constant 16 : index
        %get3A_323 = tpu.vector_load %arg6[%get3A_320, %get3A_321, %get3A_322] {strides = array<i32>} : memref<2x128x64xf32, #tpu.memory_space<vmem>>, vector<16xf32>,
        %mul3A_324 = arith.mulf %get3A_323, %get3A_323 : vector<16xf32>
        %add3A_325 = arith.addf %scan3A_282, %mul3A_324 : vector<16xf32>
        %swap3A_326 = arith.index_cast %add3A_311 : i32 to index
        %swap3A_327 = tpu.vector_load %arg8[%swap3A_326] {strides = array<i32>} : memref<8320xf32, #tpu.memory_space<vmem>>, vector<16xf32>,
        tpu.vector_store %arg8[%swap3A_326], %add3A_325 {strides = array<i32>} : memref<8320xf32, #tpu.memory_space<vmem>>, vector<16xf32>,
        %mul3A_328 = arith.constant 64 : i32
        %mul3A_329 = arith.muli %add3A_288, %mul3A_328 : i32
        %add3A_330 = arith.constant 32 : i32
        %add3A_331 = arith.addi %mul3A_329, %add3A_330 : i32
        %get3A_332 = arith.index_cast %rem3A_70 : i32 to index
        %get3A_333 = arith.index_cast %add3A_288 : i32 to index
        %get3A_334 = arith.constant 32 : index
        %get3A_335 = tpu.vector_load %arg5[%get3A_332, %get3A_333, %get3A_334] {strides = array<i32>} : memref<2x128x64xf32, #tpu.memory_space<vmem>>, vector<16xf32>,
        %mul3A_336 = arith.mulf %get3A_335, %get3A_335 : vector<16xf32>
        %add3A_337 = arith.addf %scan3A_279, %mul3A_336 : vector<16xf32>
        %swap3A_338 = arith.index_cast %add3A_331 : i32 to index
        %swap3A_339 = tpu.vector_load %arg7[%swap3A_338] {strides = array<i32>} : memref<8320xf32, #tpu.memory_space<vmem>>, vector<16xf32>,
        tpu.vector_store %arg7[%swap3A_338], %add3A_337 {strides = array<i32>} : memref<8320xf32, #tpu.memory_space<vmem>>, vector<16xf32>,
        %get3A_340 = arith.index_cast %rem3A_70 : i32 to index
        %get3A_341 = arith.index_cast %add3A_288 : i32 to index
        %get3A_342 = arith.constant 32 : index
        %get3A_343 = tpu.vector_load %arg6[%get3A_340, %get3A_341, %get3A_342] {strides = array<i32>} : memref<2x128x64xf32, #tpu.memory_space<vmem>>, vector<16xf32>,
        %mul3A_344 = arith.mulf %get3A_343, %get3A_343 : vector<16xf32>
        %add3A_345 = arith.addf %scan3A_283, %mul3A_344 : vector<16xf32>
        %swap3A_346 = arith.index_cast %add3A_331 : i32 to index
        %swap3A_347 = tpu.vector_load %arg8[%swap3A_346] {strides = array<i32>} : memref<8320xf32, #tpu.memory_space<vmem>>, vector<16xf32>,
        tpu.vector_store %arg8[%swap3A_346], %add3A_345 {strides = array<i32>} : memref<8320xf32, #tpu.memory_space<vmem>>, vector<16xf32>,
        %mul3A_348 = arith.constant 64 : i32
        %mul3A_349 = arith.muli %add3A_288, %mul3A_348 : i32
        %add3A_350 = arith.constant 48 : i32
        %add3A_351 = arith.addi %mul3A_349, %add3A_350 : i32
        %get3A_352 = arith.index_cast %rem3A_70 : i32 to index
        %get3A_353 = arith.index_cast %add3A_288 : i32 to index
        %get3A_354 = arith.constant 48 : index
        %get3A_355 = tpu.vector_load %arg5[%get3A_352, %get3A_353, %get3A_354] {strides = array<i32>} : memref<2x128x64xf32, #tpu.memory_space<vmem>>, vector<16xf32>,
        %mul3A_356 = arith.mulf %get3A_355, %get3A_355 : vector<16xf32>
        %add3A_357 = arith.addf %scan3A_280, %mul3A_356 : vector<16xf32>
        %swap3A_358 = arith.index_cast %add3A_351 : i32 to index
        %swap3A_359 = tpu.vector_load %arg7[%swap3A_358] {strides = array<i32>} : memref<8320xf32, #tpu.memory_space<vmem>>, vector<16xf32>,
        tpu.vector_store %arg7[%swap3A_358], %add3A_357 {strides = array<i32>} : memref<8320xf32, #tpu.memory_space<vmem>>, vector<16xf32>,
        %get3A_360 = arith.index_cast %rem3A_70 : i32 to index
        %get3A_361 = arith.index_cast %add3A_288 : i32 to index
        %get3A_362 = arith.constant 48 : index
        %get3A_363 = tpu.vector_load %arg6[%get3A_360, %get3A_361, %get3A_362] {strides = array<i32>} : memref<2x128x64xf32, #tpu.memory_space<vmem>>, vector<16xf32>,
        %mul3A_364 = arith.mulf %get3A_363, %get3A_363 : vector<16xf32>
        %add3A_365 = arith.addf %scan3A_284, %mul3A_364 : vector<16xf32>
        %swap3A_366 = arith.index_cast %add3A_351 : i32 to index
        %swap3A_367 = tpu.vector_load %arg8[%swap3A_366] {strides = array<i32>} : memref<8320xf32, #tpu.memory_space<vmem>>, vector<16xf32>,
        tpu.vector_store %arg8[%swap3A_366], %add3A_365 {strides = array<i32>} : memref<8320xf32, #tpu.memory_space<vmem>>, vector<16xf32>,
        %mul3A_368 = arith.constant 4 : i32
        %mul3A_369 = arith.muli %scan3A_276, %mul3A_368 : i32
        %add3A_370 = arith.constant 1 : i32
        %add3A_371 = arith.addi %mul3A_369, %add3A_370 : i32
        %mul3A_372 = arith.constant 64 : i32
        %mul3A_373 = arith.muli %add3A_371, %mul3A_372 : i32
        %add3A_374 = arith.constant 0 : i32
        %add3A_375 = arith.addi %mul3A_373, %add3A_374 : i32
        %get3A_376 = arith.index_cast %rem3A_70 : i32 to index
        %get3A_377 = arith.index_cast %add3A_371 : i32 to index
        %get3A_378 = arith.constant 0 : index
        %get3A_379 = tpu.vector_load %arg5[%get3A_376, %get3A_377, %get3A_378] {strides = array<i32>} : memref<2x128x64xf32, #tpu.memory_space<vmem>>, vector<16xf32>,
        %mul3A_380 = arith.mulf %get3A_379, %get3A_379 : vector<16xf32>
        %add3A_381 = arith.addf %add3A_297, %mul3A_380 : vector<16xf32>
        %swap3A_382 = arith.index_cast %add3A_375 : i32 to index
        %swap3A_383 = tpu.vector_load %arg7[%swap3A_382] {strides = array<i32>} : memref<8320xf32, #tpu.memory_space<vmem>>, vector<16xf32>,
        tpu.vector_store %arg7[%swap3A_382], %add3A_381 {strides = array<i32>} : memref<8320xf32, #tpu.memory_space<vmem>>, vector<16xf32>,
        %get3A_384 = arith.index_cast %rem3A_70 : i32 to index
        %get3A_385 = arith.index_cast %add3A_371 : i32 to index
        %get3A_386 = arith.constant 0 : index
        %get3A_387 = tpu.vector_load %arg6[%get3A_384, %get3A_385, %get3A_386] {strides = array<i32>} : memref<2x128x64xf32, #tpu.memory_space<vmem>>, vector<16xf32>,
        %mul3A_388 = arith.mulf %get3A_387, %get3A_387 : vector<16xf32>
        %add3A_389 = arith.addf %add3A_305, %mul3A_388 : vector<16xf32>
        %swap3A_390 = arith.index_cast %add3A_375 : i32 to index
        %swap3A_391 = tpu.vector_load %arg8[%swap3A_390] {strides = array<i32>} : memref<8320xf32, #tpu.memory_space<vmem>>, vector<16xf32>,
        tpu.vector_store %arg8[%swap3A_390], %add3A_389 {strides = array<i32>} : memref<8320xf32, #tpu.memory_space<vmem>>, vector<16xf32>,
        %mul3A_392 = arith.constant 64 : i32
        %mul3A_393 = arith.muli %add3A_371, %mul3A_392 : i32
        %add3A_394 = arith.constant 16 : i32
        %add3A_395 = arith.addi %mul3A_393, %add3A_394 : i32
        %get3A_396 = arith.index_cast %rem3A_70 : i32 to index
        %get3A_397 = arith.index_cast %add3A_371 : i32 to index
        %get3A_398 = arith.constant 16 : index
        %get3A_399 = tpu.vector_load %arg5[%get3A_396, %get3A_397, %get3A_398] {strides = array<i32>} : memref<2x128x64xf32, #tpu.memory_space<vmem>>, vector<16xf32>,
        %mul3A_400 = arith.mulf %get3A_399, %get3A_399 : vector<16xf32>
        %add3A_401 = arith.addf %add3A_317, %mul3A_400 : vector<16xf32>
        %swap3A_402 = arith.index_cast %add3A_395 : i32 to index
        %swap3A_403 = tpu.vector_load %arg7[%swap3A_402] {strides = array<i32>} : memref<8320xf32, #tpu.memory_space<vmem>>, vector<16xf32>,
        tpu.vector_store %arg7[%swap3A_402], %add3A_401 {strides = array<i32>} : memref<8320xf32, #tpu.memory_space<vmem>>, vector<16xf32>,
        %get3A_404 = arith.index_cast %rem3A_70 : i32 to index
        %get3A_405 = arith.index_cast %add3A_371 : i32 to index
        %get3A_406 = arith.constant 16 : index
        %get3A_407 = tpu.vector_load %arg6[%get3A_404, %get3A_405, %get3A_406] {strides = array<i32>} : memref<2x128x64xf32, #tpu.memory_space<vmem>>, vector<16xf32>,
        %mul3A_408 = arith.mulf %get3A_407, %get3A_407 : vector<16xf32>
        %add3A_409 = arith.addf %add3A_325, %mul3A_408 : vector<16xf32>
        %swap3A_410 = arith.index_cast %add3A_395 : i32 to index
        %swap3A_411 = tpu.vector_load %arg8[%swap3A_410] {strides = array<i32>} : memref<8320xf32, #tpu.memory_space<vmem>>, vector<16xf32>,
        tpu.vector_store %arg8[%swap3A_410], %add3A_409 {strides = array<i32>} : memref<8320xf32, #tpu.memory_space<vmem>>, vector<16xf32>,
        %mul3A_412 = arith.constant 64 : i32
        %mul3A_413 = arith.muli %add3A_371, %mul3A_412 : i32
        %add3A_414 = arith.constant 32 : i32
        %add3A_415 = arith.addi %mul3A_413, %add3A_414 : i32
        %get3A_416 = arith.index_cast %rem3A_70 : i32 to index
        %get3A_417 = arith.index_cast %add3A_371 : i32 to index
        %get3A_418 = arith.constant 32 : index
        %get3A_419 = tpu.vector_load %arg5[%get3A_416, %get3A_417, %get3A_418] {strides = array<i32>} : memref<2x128x64xf32, #tpu.memory_space<vmem>>, vector<16xf32>,
        %mul3A_420 = arith.mulf %get3A_419, %get3A_419 : vector<16xf32>
        %add3A_421 = arith.addf %add3A_337, %mul3A_420 : vector<16xf32>
        %swap3A_422 = arith.index_cast %add3A_415 : i32 to index
        %swap3A_423 = tpu.vector_load %arg7[%swap3A_422] {strides = array<i32>} : memref<8320xf32, #tpu.memory_space<vmem>>, vector<16xf32>,
        tpu.vector_store %arg7[%swap3A_422], %add3A_421 {strides = array<i32>} : memref<8320xf32, #tpu.memory_space<vmem>>, vector<16xf32>,
        %get3A_424 = arith.index_cast %rem3A_70 : i32 to index
        %get3A_425 = arith.index_cast %add3A_371 : i32 to index
        %get3A_426 = arith.constant 32 : index
        %get3A_427 = tpu.vector_load %arg6[%get3A_424, %get3A_425, %get3A_426] {strides = array<i32>} : memref<2x128x64xf32, #tpu.memory_space<vmem>>, vector<16xf32>,
        %mul3A_428 = arith.mulf %get3A_427, %get3A_427 : vector<16xf32>
        %add3A_429 = arith.addf %add3A_345, %mul3A_428 : vector<16xf32>
        %swap3A_430 = arith.index_cast %add3A_415 : i32 to index
        %swap3A_431 = tpu.vector_load %arg8[%swap3A_430] {strides = array<i32>} : memref<8320xf32, #tpu.memory_space<vmem>>, vector<16xf32>,
        tpu.vector_store %arg8[%swap3A_430], %add3A_429 {strides = array<i32>} : memref<8320xf32, #tpu.memory_space<vmem>>, vector<16xf32>,
        %mul3A_432 = arith.constant 64 : i32
        %mul3A_433 = arith.muli %add3A_371, %mul3A_432 : i32
        %add3A_434 = arith.constant 48 : i32
        %add3A_435 = arith.addi %mul3A_433, %add3A_434 : i32
        %get3A_436 = arith.index_cast %rem3A_70 : i32 to index
        %get3A_437 = arith.index_cast %add3A_371 : i32 to index
        %get3A_438 = arith.constant 48 : index
        %get3A_439 = tpu.vector_load %arg5[%get3A_436, %get3A_437, %get3A_438] {strides = array<i32>} : memref<2x128x64xf32, #tpu.memory_space<vmem>>, vector<16xf32>,
        %mul3A_440 = arith.mulf %get3A_439, %get3A_439 : vector<16xf32>
        %add3A_441 = arith.addf %add3A_357, %mul3A_440 : vector<16xf32>
        %swap3A_442 = arith.index_cast %add3A_435 : i32 to index
        %swap3A_443 = tpu.vector_load %arg7[%swap3A_442] {strides = array<i32>} : memref<8320xf32, #tpu.memory_space<vmem>>, vector<16xf32>,
        tpu.vector_store %arg7[%swap3A_442], %add3A_441 {strides = array<i32>} : memref<8320xf32, #tpu.memory_space<vmem>>, vector<16xf32>,
        %get3A_444 = arith.index_cast %rem3A_70 : i32 to index
        %get3A_445 = arith.index_cast %add3A_371 : i32 to index
        %get3A_446 = arith.constant 48 : index
        %get3A_447 = tpu.vector_load %arg6[%get3A_444, %get3A_445, %get3A_446] {strides = array<i32>} : memref<2x128x64xf32, #tpu.memory_space<vmem>>, vector<16xf32>,
        %mul3A_448 = arith.mulf %get3A_447, %get3A_447 : vector<16xf32>
        %add3A_449 = arith.addf %add3A_365, %mul3A_448 : vector<16xf32>
        %swap3A_450 = arith.index_cast %add3A_435 : i32 to index
        %swap3A_451 = tpu.vector_load %arg8[%swap3A_450] {strides = array<i32>} : memref<8320xf32, #tpu.memory_space<vmem>>, vector<16xf32>,
        tpu.vector_store %arg8[%swap3A_450], %add3A_449 {strides = array<i32>} : memref<8320xf32, #tpu.memory_space<vmem>>, vector<16xf32>,
        %mul3A_452 = arith.constant 4 : i32
        %mul3A_453 = arith.muli %scan3A_276, %mul3A_452 : i32
        %add3A_454 = arith.constant 2 : i32
        %add3A_455 = arith.addi %mul3A_453, %add3A_454 : i32
        %mul3A_456 = arith.constant 64 : i32
        %mul3A_457 = arith.muli %add3A_455, %mul3A_456 : i32
        %add3A_458 = arith.constant 0 : i32
        %add3A_459 = arith.addi %mul3A_457, %add3A_458 : i32
        %get3A_460 = arith.index_cast %rem3A_70 : i32 to index
        %get3A_461 = arith.index_cast %add3A_455 : i32 to index
        %get3A_462 = arith.constant 0 : index
        %get3A_463 = tpu.vector_load %arg5[%get3A_460, %get3A_461, %get3A_462] {strides = array<i32>} : memref<2x128x64xf32, #tpu.memory_space<vmem>>, vector<16xf32>,
        %mul3A_464 = arith.mulf %get3A_463, %get3A_463 : vector<16xf32>
        %add3A_465 = arith.addf %add3A_381, %mul3A_464 : vector<16xf32>
        %swap3A_466 = arith.index_cast %add3A_459 : i32 to index
        %swap3A_467 = tpu.vector_load %arg7[%swap3A_466] {strides = array<i32>} : memref<8320xf32, #tpu.memory_space<vmem>>, vector<16xf32>,
        tpu.vector_store %arg7[%swap3A_466], %add3A_465 {strides = array<i32>} : memref<8320xf32, #tpu.memory_space<vmem>>, vector<16xf32>,
        %get3A_468 = arith.index_cast %rem3A_70 : i32 to index
        %get3A_469 = arith.index_cast %add3A_455 : i32 to index
        %get3A_470 = arith.constant 0 : index
        %get3A_471 = tpu.vector_load %arg6[%get3A_468, %get3A_469, %get3A_470] {strides = array<i32>} : memref<2x128x64xf32, #tpu.memory_space<vmem>>, vector<16xf32>,
        %mul3A_472 = arith.mulf %get3A_471, %get3A_471 : vector<16xf32>
        %add3A_473 = arith.addf %add3A_389, %mul3A_472 : vector<16xf32>
        %swap3A_474 = arith.index_cast %add3A_459 : i32 to index
        %swap3A_475 = tpu.vector_load %arg8[%swap3A_474] {strides = array<i32>} : memref<8320xf32, #tpu.memory_space<vmem>>, vector<16xf32>,
        tpu.vector_store %arg8[%swap3A_474], %add3A_473 {strides = array<i32>} : memref<8320xf32, #tpu.memory_space<vmem>>, vector<16xf32>,
        %mul3A_476 = arith.constant 64 : i32
        %mul3A_477 = arith.muli %add3A_455, %mul3A_476 : i32
        %add3A_478 = arith.constant 16 : i32
        %add3A_479 = arith.addi %mul3A_477, %add3A_478 : i32
        %get3A_480 = arith.index_cast %rem3A_70 : i32 to index
        %get3A_481 = arith.index_cast %add3A_455 : i32 to index
        %get3A_482 = arith.constant 16 : index
        %get3A_483 = tpu.vector_load %arg5[%get3A_480, %get3A_481, %get3A_482] {strides = array<i32>} : memref<2x128x64xf32, #tpu.memory_space<vmem>>, vector<16xf32>,
        %mul3A_484 = arith.mulf %get3A_483, %get3A_483 : vector<16xf32>
        %add3A_485 = arith.addf %add3A_401, %mul3A_484 : vector<16xf32>
        %swap3A_486 = arith.index_cast %add3A_479 : i32 to index
        %swap3A_487 = tpu.vector_load %arg7[%swap3A_486] {strides = array<i32>} : memref<8320xf32, #tpu.memory_space<vmem>>, vector<16xf32>,
        tpu.vector_store %arg7[%swap3A_486], %add3A_485 {strides = array<i32>} : memref<8320xf32, #tpu.memory_space<vmem>>, vector<16xf32>,
        %get3A_488 = arith.index_cast %rem3A_70 : i32 to index
        %get3A_489 = arith.index_cast %add3A_455 : i32 to index
        %get3A_490 = arith.constant 16 : index
        %get3A_491 = tpu.vector_load %arg6[%get3A_488, %get3A_489, %get3A_490] {strides = array<i32>} : memref<2x128x64xf32, #tpu.memory_space<vmem>>, vector<16xf32>,
        %mul3A_492 = arith.mulf %get3A_491, %get3A_491 : vector<16xf32>
        %add3A_493 = arith.addf %add3A_409, %mul3A_492 : vector<16xf32>
        %swap3A_494 = arith.index_cast %add3A_479 : i32 to index
        %swap3A_495 = tpu.vector_load %arg8[%swap3A_494] {strides = array<i32>} : memref<8320xf32, #tpu.memory_space<vmem>>, vector<16xf32>,
        tpu.vector_store %arg8[%swap3A_494], %add3A_493 {strides = array<i32>} : memref<8320xf32, #tpu.memory_space<vmem>>, vector<16xf32>,
        %mul3A_496 = arith.constant 64 : i32
        %mul3A_497 = arith.muli %add3A_455, %mul3A_496 : i32
        %add3A_498 = arith.constant 32 : i32
        %add3A_499 = arith.addi %mul3A_497, %add3A_498 : i32
        %get3A_500 = arith.index_cast %rem3A_70 : i32 to index
        %get3A_501 = arith.index_cast %add3A_455 : i32 to index
        %get3A_502 = arith.constant 32 : index
        %get3A_503 = tpu.vector_load %arg5[%get3A_500, %get3A_501, %get3A_502] {strides = array<i32>} : memref<2x128x64xf32, #tpu.memory_space<vmem>>, vector<16xf32>,
        %mul3A_504 = arith.mulf %get3A_503, %get3A_503 : vector<16xf32>
        %add3A_505 = arith.addf %add3A_421, %mul3A_504 : vector<16xf32>
        %swap3A_506 = arith.index_cast %add3A_499 : i32 to index
        %swap3A_507 = tpu.vector_load %arg7[%swap3A_506] {strides = array<i32>} : memref<8320xf32, #tpu.memory_space<vmem>>, vector<16xf32>,
        tpu.vector_store %arg7[%swap3A_506], %add3A_505 {strides = array<i32>} : memref<8320xf32, #tpu.memory_space<vmem>>, vector<16xf32>,
        %get3A_508 = arith.index_cast %rem3A_70 : i32 to index
        %get3A_509 = arith.index_cast %add3A_455 : i32 to index
        %get3A_510 = arith.constant 32 : index
        %get3A_511 = tpu.vector_load %arg6[%get3A_508, %get3A_509, %get3A_510] {strides = array<i32>} : memref<2x128x64xf32, #tpu.memory_space<vmem>>, vector<16xf32>,
        %mul3A_512 = arith.mulf %get3A_511, %get3A_511 : vector<16xf32>
        %add3A_513 = arith.addf %add3A_429, %mul3A_512 : vector<16xf32>
        %swap3A_514 = arith.index_cast %add3A_499 : i32 to index
        %swap3A_515 = tpu.vector_load %arg8[%swap3A_514] {strides = array<i32>} : memref<8320xf32, #tpu.memory_space<vmem>>, vector<16xf32>,
        tpu.vector_store %arg8[%swap3A_514], %add3A_513 {strides = array<i32>} : memref<8320xf32, #tpu.memory_space<vmem>>, vector<16xf32>,
        %mul3A_516 = arith.constant 64 : i32
        %mul3A_517 = arith.muli %add3A_455, %mul3A_516 : i32
        %add3A_518 = arith.constant 48 : i32
        %add3A_519 = arith.addi %mul3A_517, %add3A_518 : i32
        %get3A_520 = arith.index_cast %rem3A_70 : i32 to index
        %get3A_521 = arith.index_cast %add3A_455 : i32 to index
        %get3A_522 = arith.constant 48 : index
        %get3A_523 = tpu.vector_load %arg5[%get3A_520, %get3A_521, %get3A_522] {strides = array<i32>} : memref<2x128x64xf32, #tpu.memory_space<vmem>>, vector<16xf32>,
        %mul3A_524 = arith.mulf %get3A_523, %get3A_523 : vector<16xf32>
        %add3A_525 = arith.addf %add3A_441, %mul3A_524 : vector<16xf32>
        %swap3A_526 = arith.index_cast %add3A_519 : i32 to index
        %swap3A_527 = tpu.vector_load %arg7[%swap3A_526] {strides = array<i32>} : memref<8320xf32, #tpu.memory_space<vmem>>, vector<16xf32>,
        tpu.vector_store %arg7[%swap3A_526], %add3A_525 {strides = array<i32>} : memref<8320xf32, #tpu.memory_space<vmem>>, vector<16xf32>,
        %get3A_528 = arith.index_cast %rem3A_70 : i32 to index
        %get3A_529 = arith.index_cast %add3A_455 : i32 to index
        %get3A_530 = arith.constant 48 : index
        %get3A_531 = tpu.vector_load %arg6[%get3A_528, %get3A_529, %get3A_530] {strides = array<i32>} : memref<2x128x64xf32, #tpu.memory_space<vmem>>, vector<16xf32>,
        %mul3A_532 = arith.mulf %get3A_531, %get3A_531 : vector<16xf32>
        %add3A_533 = arith.addf %add3A_449, %mul3A_532 : vector<16xf32>
        %swap3A_534 = arith.index_cast %add3A_519 : i32 to index
        %swap3A_535 = tpu.vector_load %arg8[%swap3A_534] {strides = array<i32>} : memref<8320xf32, #tpu.memory_space<vmem>>, vector<16xf32>,
        tpu.vector_store %arg8[%swap3A_534], %add3A_533 {strides = array<i32>} : memref<8320xf32, #tpu.memory_space<vmem>>, vector<16xf32>,
        %mul3A_536 = arith.constant 4 : i32
        %mul3A_537 = arith.muli %scan3A_276, %mul3A_536 : i32
        %add3A_538 = arith.constant 3 : i32
        %add3A_539 = arith.addi %mul3A_537, %add3A_538 : i32
        %mul3A_540 = arith.constant 64 : i32
        %mul3A_541 = arith.muli %add3A_539, %mul3A_540 : i32
        %add3A_542 = arith.constant 0 : i32
        %add3A_543 = arith.addi %mul3A_541, %add3A_542 : i32
        %get3A_544 = arith.index_cast %rem3A_70 : i32 to index
        %get3A_545 = arith.index_cast %add3A_539 : i32 to index
        %get3A_546 = arith.constant 0 : index
        %get3A_547 = tpu.vector_load %arg5[%get3A_544, %get3A_545, %get3A_546] {strides = array<i32>} : memref<2x128x64xf32, #tpu.memory_space<vmem>>, vector<16xf32>,
        %mul3A_548 = arith.mulf %get3A_547, %get3A_547 : vector<16xf32>
        %add3A_549 = arith.addf %add3A_465, %mul3A_548 : vector<16xf32>
        %swap3A_550 = arith.index_cast %add3A_543 : i32 to index
        %swap3A_551 = tpu.vector_load %arg7[%swap3A_550] {strides = array<i32>} : memref<8320xf32, #tpu.memory_space<vmem>>, vector<16xf32>,
        tpu.vector_store %arg7[%swap3A_550], %add3A_549 {strides = array<i32>} : memref<8320xf32, #tpu.memory_space<vmem>>, vector<16xf32>,
        %get3A_552 = arith.index_cast %rem3A_70 : i32 to index
        %get3A_553 = arith.index_cast %add3A_539 : i32 to index
        %get3A_554 = arith.constant 0 : index
        %get3A_555 = tpu.vector_load %arg6[%get3A_552, %get3A_553, %get3A_554] {strides = array<i32>} : memref<2x128x64xf32, #tpu.memory_space<vmem>>, vector<16xf32>,
        %mul3A_556 = arith.mulf %get3A_555, %get3A_555 : vector<16xf32>
        %add3A_557 = arith.addf %add3A_473, %mul3A_556 : vector<16xf32>
        %swap3A_558 = arith.index_cast %add3A_543 : i32 to index
        %swap3A_559 = tpu.vector_load %arg8[%swap3A_558] {strides = array<i32>} : memref<8320xf32, #tpu.memory_space<vmem>>, vector<16xf32>,
        tpu.vector_store %arg8[%swap3A_558], %add3A_557 {strides = array<i32>} : memref<8320xf32, #tpu.memory_space<vmem>>, vector<16xf32>,
        %mul3A_560 = arith.constant 64 : i32
        %mul3A_561 = arith.muli %add3A_539, %mul3A_560 : i32
        %add3A_562 = arith.constant 16 : i32
        %add3A_563 = arith.addi %mul3A_561, %add3A_562 : i32
        %get3A_564 = arith.index_cast %rem3A_70 : i32 to index
        %get3A_565 = arith.index_cast %add3A_539 : i32 to index
        %get3A_566 = arith.constant 16 : index
        %get3A_567 = tpu.vector_load %arg5[%get3A_564, %get3A_565, %get3A_566] {strides = array<i32>} : memref<2x128x64xf32, #tpu.memory_space<vmem>>, vector<16xf32>,
        %mul3A_568 = arith.mulf %get3A_567, %get3A_567 : vector<16xf32>
        %add3A_569 = arith.addf %add3A_485, %mul3A_568 : vector<16xf32>
        %swap3A_570 = arith.index_cast %add3A_563 : i32 to index
        %swap3A_571 = tpu.vector_load %arg7[%swap3A_570] {strides = array<i32>} : memref<8320xf32, #tpu.memory_space<vmem>>, vector<16xf32>,
        tpu.vector_store %arg7[%swap3A_570], %add3A_569 {strides = array<i32>} : memref<8320xf32, #tpu.memory_space<vmem>>, vector<16xf32>,
        %get3A_572 = arith.index_cast %rem3A_70 : i32 to index
        %get3A_573 = arith.index_cast %add3A_539 : i32 to index
        %get3A_574 = arith.constant 16 : index
        %get3A_575 = tpu.vector_load %arg6[%get3A_572, %get3A_573, %get3A_574] {strides = array<i32>} : memref<2x128x64xf32, #tpu.memory_space<vmem>>, vector<16xf32>,
        %mul3A_576 = arith.mulf %get3A_575, %get3A_575 : vector<16xf32>
        %add3A_577 = arith.addf %add3A_493, %mul3A_576 : vector<16xf32>
        %swap3A_578 = arith.index_cast %add3A_563 : i32 to index
        %swap3A_579 = tpu.vector_load %arg8[%swap3A_578] {strides = array<i32>} : memref<8320xf32, #tpu.memory_space<vmem>>, vector<16xf32>,
        tpu.vector_store %arg8[%swap3A_578], %add3A_577 {strides = array<i32>} : memref<8320xf32, #tpu.memory_space<vmem>>, vector<16xf32>,
        %mul3A_580 = arith.constant 64 : i32
        %mul3A_581 = arith.muli %add3A_539, %mul3A_580 : i32
        %add3A_582 = arith.constant 32 : i32
        %add3A_583 = arith.addi %mul3A_581, %add3A_582 : i32
        %get3A_584 = arith.index_cast %rem3A_70 : i32 to index
        %get3A_585 = arith.index_cast %add3A_539 : i32 to index
        %get3A_586 = arith.constant 32 : index
        %get3A_587 = tpu.vector_load %arg5[%get3A_584, %get3A_585, %get3A_586] {strides = array<i32>} : memref<2x128x64xf32, #tpu.memory_space<vmem>>, vector<16xf32>,
        %mul3A_588 = arith.mulf %get3A_587, %get3A_587 : vector<16xf32>
        %add3A_589 = arith.addf %add3A_505, %mul3A_588 : vector<16xf32>
        %swap3A_590 = arith.index_cast %add3A_583 : i32 to index
        %swap3A_591 = tpu.vector_load %arg7[%swap3A_590] {strides = array<i32>} : memref<8320xf32, #tpu.memory_space<vmem>>, vector<16xf32>,
        tpu.vector_store %arg7[%swap3A_590], %add3A_589 {strides = array<i32>} : memref<8320xf32, #tpu.memory_space<vmem>>, vector<16xf32>,
        %get3A_592 = arith.index_cast %rem3A_70 : i32 to index
        %get3A_593 = arith.index_cast %add3A_539 : i32 to index
        %get3A_594 = arith.constant 32 : index
        %get3A_595 = tpu.vector_load %arg6[%get3A_592, %get3A_593, %get3A_594] {strides = array<i32>} : memref<2x128x64xf32, #tpu.memory_space<vmem>>, vector<16xf32>,
        %mul3A_596 = arith.mulf %get3A_595, %get3A_595 : vector<16xf32>
        %add3A_597 = arith.addf %add3A_513, %mul3A_596 : vector<16xf32>
        %swap3A_598 = arith.index_cast %add3A_583 : i32 to index
        %swap3A_599 = tpu.vector_load %arg8[%swap3A_598] {strides = array<i32>} : memref<8320xf32, #tpu.memory_space<vmem>>, vector<16xf32>,
        tpu.vector_store %arg8[%swap3A_598], %add3A_597 {strides = array<i32>} : memref<8320xf32, #tpu.memory_space<vmem>>, vector<16xf32>,
        %mul3A_600 = arith.constant 64 : i32
        %mul3A_601 = arith.muli %add3A_539, %mul3A_600 : i32
        %add3A_602 = arith.constant 48 : i32
        %add3A_603 = arith.addi %mul3A_601, %add3A_602 : i32
        %get3A_604 = arith.index_cast %rem3A_70 : i32 to index
        %get3A_605 = arith.index_cast %add3A_539 : i32 to index
        %get3A_606 = arith.constant 48 : index
        %get3A_607 = tpu.vector_load %arg5[%get3A_604, %get3A_605, %get3A_606] {strides = array<i32>} : memref<2x128x64xf32, #tpu.memory_space<vmem>>, vector<16xf32>,
        %mul3A_608 = arith.mulf %get3A_607, %get3A_607 : vector<16xf32>
        %add3A_609 = arith.addf %add3A_525, %mul3A_608 : vector<16xf32>
        %swap3A_610 = arith.index_cast %add3A_603 : i32 to index
        %swap3A_611 = tpu.vector_load %arg7[%swap3A_610] {strides = array<i32>} : memref<8320xf32, #tpu.memory_space<vmem>>, vector<16xf32>,
        tpu.vector_store %arg7[%swap3A_610], %add3A_609 {strides = array<i32>} : memref<8320xf32, #tpu.memory_space<vmem>>, vector<16xf32>,
        %get3A_612 = arith.index_cast %rem3A_70 : i32 to index
        %get3A_613 = arith.index_cast %add3A_539 : i32 to index
        %get3A_614 = arith.constant 48 : index
        %get3A_615 = tpu.vector_load %arg6[%get3A_612, %get3A_613, %get3A_614] {strides = array<i32>} : memref<2x128x64xf32, #tpu.memory_space<vmem>>, vector<16xf32>,
        %mul3A_616 = arith.mulf %get3A_615, %get3A_615 : vector<16xf32>
        %add3A_617 = arith.addf %add3A_533, %mul3A_616 : vector<16xf32>
        %swap3A_618 = arith.index_cast %add3A_603 : i32 to index
        %swap3A_619 = tpu.vector_load %arg8[%swap3A_618] {strides = array<i32>} : memref<8320xf32, #tpu.memory_space<vmem>>, vector<16xf32>,
        tpu.vector_store %arg8[%swap3A_618], %add3A_617 {strides = array<i32>} : memref<8320xf32, #tpu.memory_space<vmem>>, vector<16xf32>,
        scf.yield %add3A_549, %add3A_569, %add3A_589, %add3A_609, %add3A_557, %add3A_577, %add3A_597, %add3A_617 : vector<16xf32>, vector<16xf32>, vector<16xf32>, vector<16xf32>, vector<16xf32>, vector<16xf32>, vector<16xf32>, vector<16xf32>
      }
      %scan3A_131 = arith.constant 32 : i32
      %broadcast_in_dim3A_132 = arith.constant 3.000000e+38 : f32
      %broadcast_in_dim3A_133 = vector.broadcast %broadcast_in_dim3A_132 : f32 to vector<16xf32>
      %swap3A_134 = arith.constant 8128 : index
      %swap3A_135 = tpu.vector_load %arg7[%swap3A_134] {strides = array<i32>} : memref<8320xf32, #tpu.memory_space<vmem>>, vector<16xf32>,
      tpu.vector_store %arg7[%swap3A_134], %broadcast_in_dim3A_133 {strides = array<i32>} : memref<8320xf32, #tpu.memory_space<vmem>>, vector<16xf32>,
      %swap3A_136 = arith.constant 8128 : index
      %swap3A_137 = tpu.vector_load %arg8[%swap3A_136] {strides = array<i32>} : memref<8320xf32, #tpu.memory_space<vmem>>, vector<16xf32>,
      tpu.vector_store %arg8[%swap3A_136], %broadcast_in_dim3A_133 {strides = array<i32>} : memref<8320xf32, #tpu.memory_space<vmem>>, vector<16xf32>,
      %swap3A_138 = arith.constant 8192 : index
      %swap3A_139 = tpu.vector_load %arg7[%swap3A_138] {strides = array<i32>} : memref<8320xf32, #tpu.memory_space<vmem>>, vector<16xf32>,
      tpu.vector_store %arg7[%swap3A_138], %broadcast_in_dim3A_133 {strides = array<i32>} : memref<8320xf32, #tpu.memory_space<vmem>>, vector<16xf32>,
      %swap3A_140 = arith.constant 8192 : index
      %swap3A_141 = tpu.vector_load %arg8[%swap3A_140] {strides = array<i32>} : memref<8320xf32, #tpu.memory_space<vmem>>, vector<16xf32>,
      tpu.vector_store %arg8[%swap3A_140], %broadcast_in_dim3A_133 {strides = array<i32>} : memref<8320xf32, #tpu.memory_space<vmem>>, vector<16xf32>,
      %swap3A_142 = arith.constant 8256 : index
      %swap3A_143 = tpu.vector_load %arg7[%swap3A_142] {strides = array<i32>} : memref<8320xf32, #tpu.memory_space<vmem>>, vector<16xf32>,
      tpu.vector_store %arg7[%swap3A_142], %broadcast_in_dim3A_133 {strides = array<i32>} : memref<8320xf32, #tpu.memory_space<vmem>>, vector<16xf32>,
      %swap3A_144 = arith.constant 8256 : index
      %swap3A_145 = tpu.vector_load %arg8[%swap3A_144] {strides = array<i32>} : memref<8320xf32, #tpu.memory_space<vmem>>, vector<16xf32>,
      tpu.vector_store %arg8[%swap3A_144], %broadcast_in_dim3A_133 {strides = array<i32>} : memref<8320xf32, #tpu.memory_space<vmem>>, vector<16xf32>,
      %swap3A_146 = arith.constant 8144 : index
      %swap3A_147 = tpu.vector_load %arg7[%swap3A_146] {strides = array<i32>} : memref<8320xf32, #tpu.memory_space<vmem>>, vector<16xf32>,
      tpu.vector_store %arg7[%swap3A_146], %broadcast_in_dim3A_133 {strides = array<i32>} : memref<8320xf32, #tpu.memory_space<vmem>>, vector<16xf32>,
      %swap3A_148 = arith.constant 8144 : index
      %swap3A_149 = tpu.vector_load %arg8[%swap3A_148] {strides = array<i32>} : memref<8320xf32, #tpu.memory_space<vmem>>, vector<16xf32>,
      tpu.vector_store %arg8[%swap3A_148], %broadcast_in_dim3A_133 {strides = array<i32>} : memref<8320xf32, #tpu.memory_space<vmem>>, vector<16xf32>,
      %swap3A_150 = arith.constant 8208 : index
      %swap3A_151 = tpu.vector_load %arg7[%swap3A_150] {strides = array<i32>} : memref<8320xf32, #tpu.memory_space<vmem>>, vector<16xf32>,
      tpu.vector_store %arg7[%swap3A_150], %broadcast_in_dim3A_133 {strides = array<i32>} : memref<8320xf32, #tpu.memory_space<vmem>>, vector<16xf32>,
      %swap3A_152 = arith.constant 8208 : index
      %swap3A_153 = tpu.vector_load %arg8[%swap3A_152] {strides = array<i32>} : memref<8320xf32, #tpu.memory_space<vmem>>, vector<16xf32>,
      tpu.vector_store %arg8[%swap3A_152], %broadcast_in_dim3A_133 {strides = array<i32>} : memref<8320xf32, #tpu.memory_space<vmem>>, vector<16xf32>,
      %swap3A_154 = arith.constant 8272 : index
      %swap3A_155 = tpu.vector_load %arg7[%swap3A_154] {strides = array<i32>} : memref<8320xf32, #tpu.memory_space<vmem>>, vector<16xf32>,
      tpu.vector_store %arg7[%swap3A_154], %broadcast_in_dim3A_133 {strides = array<i32>} : memref<8320xf32, #tpu.memory_space<vmem>>, vector<16xf32>,
      %swap3A_156 = arith.constant 8272 : index
      %swap3A_157 = tpu.vector_load %arg8[%swap3A_156] {strides = array<i32>} : memref<8320xf32, #tpu.memory_space<vmem>>, vector<16xf32>,
      tpu.vector_store %arg8[%swap3A_156], %broadcast_in_dim3A_133 {strides = array<i32>} : memref<8320xf32, #tpu.memory_space<vmem>>, vector<16xf32>,
      %swap3A_158 = arith.constant 8160 : index
      %swap3A_159 = tpu.vector_load %arg7[%swap3A_158] {strides = array<i32>} : memref<8320xf32, #tpu.memory_space<vmem>>, vector<16xf32>,
      tpu.vector_store %arg7[%swap3A_158], %broadcast_in_dim3A_133 {strides = array<i32>} : memref<8320xf32, #tpu.memory_space<vmem>>, vector<16xf32>,
      %swap3A_160 = arith.constant 8160 : index
      %swap3A_161 = tpu.vector_load %arg8[%swap3A_160] {strides = array<i32>} : memref<8320xf32, #tpu.memory_space<vmem>>, vector<16xf32>,
      tpu.vector_store %arg8[%swap3A_160], %broadcast_in_dim3A_133 {strides = array<i32>} : memref<8320xf32, #tpu.memory_space<vmem>>, vector<16xf32>,
      %swap3A_162 = arith.constant 8224 : index
      %swap3A_163 = tpu.vector_load %arg7[%swap3A_162] {strides = array<i32>} : memref<8320xf32, #tpu.memory_space<vmem>>, vector<16xf32>,
      tpu.vector_store %arg7[%swap3A_162], %broadcast_in_dim3A_133 {strides = array<i32>} : memref<8320xf32, #tpu.memory_space<vmem>>, vector<16xf32>,
      %swap3A_164 = arith.constant 8224 : index
      %swap3A_165 = tpu.vector_load %arg8[%swap3A_164] {strides = array<i32>} : memref<8320xf32, #tpu.memory_space<vmem>>, vector<16xf32>,
      tpu.vector_store %arg8[%swap3A_164], %broadcast_in_dim3A_133 {strides = array<i32>} : memref<8320xf32, #tpu.memory_space<vmem>>, vector<16xf32>,
      %swap3A_166 = arith.constant 8288 : index
      %swap3A_167 = tpu.vector_load %arg7[%swap3A_166] {strides = array<i32>} : memref<8320xf32, #tpu.memory_space<vmem>>, vector<16xf32>,
      tpu.vector_store %arg7[%swap3A_166], %broadcast_in_dim3A_133 {strides = array<i32>} : memref<8320xf32, #tpu.memory_space<vmem>>, vector<16xf32>,
      %swap3A_168 = arith.constant 8288 : index
      %swap3A_169 = tpu.vector_load %arg8[%swap3A_168] {strides = array<i32>} : memref<8320xf32, #tpu.memory_space<vmem>>, vector<16xf32>,
      tpu.vector_store %arg8[%swap3A_168], %broadcast_in_dim3A_133 {strides = array<i32>} : memref<8320xf32, #tpu.memory_space<vmem>>, vector<16xf32>,
      %swap3A_170 = arith.constant 8176 : index
      %swap3A_171 = tpu.vector_load %arg7[%swap3A_170] {strides = array<i32>} : memref<8320xf32, #tpu.memory_space<vmem>>, vector<16xf32>,
      tpu.vector_store %arg7[%swap3A_170], %broadcast_in_dim3A_133 {strides = array<i32>} : memref<8320xf32, #tpu.memory_space<vmem>>, vector<16xf32>,
      %swap3A_172 = arith.constant 8176 : index
      %swap3A_173 = tpu.vector_load %arg8[%swap3A_172] {strides = array<i32>} : memref<8320xf32, #tpu.memory_space<vmem>>, vector<16xf32>,
      tpu.vector_store %arg8[%swap3A_172], %broadcast_in_dim3A_133 {strides = array<i32>} : memref<8320xf32, #tpu.memory_space<vmem>>, vector<16xf32>,
      %swap3A_174 = arith.constant 8240 : index
      %swap3A_175 = tpu.vector_load %arg7[%swap3A_174] {strides = array<i32>} : memref<8320xf32, #tpu.memory_space<vmem>>, vector<16xf32>,
      tpu.vector_store %arg7[%swap3A_174], %broadcast_in_dim3A_133 {strides = array<i32>} : memref<8320xf32, #tpu.memory_space<vmem>>, vector<16xf32>,
      %swap3A_176 = arith.constant 8240 : index
      %swap3A_177 = tpu.vector_load %arg8[%swap3A_176] {strides = array<i32>} : memref<8320xf32, #tpu.memory_space<vmem>>, vector<16xf32>,
      tpu.vector_store %arg8[%swap3A_176], %broadcast_in_dim3A_133 {strides = array<i32>} : memref<8320xf32, #tpu.memory_space<vmem>>, vector<16xf32>,
      %swap3A_178 = arith.constant 8304 : index
      %swap3A_179 = tpu.vector_load %arg7[%swap3A_178] {strides = array<i32>} : memref<8320xf32, #tpu.memory_space<vmem>>, vector<16xf32>,
      tpu.vector_store %arg7[%swap3A_178], %broadcast_in_dim3A_133 {strides = array<i32>} : memref<8320xf32, #tpu.memory_space<vmem>>, vector<16xf32>,
      %swap3A_180 = arith.constant 8304 : index
      %swap3A_181 = tpu.vector_load %arg8[%swap3A_180] {strides = array<i32>} : memref<8320xf32, #tpu.memory_space<vmem>>, vector<16xf32>,
      tpu.vector_store %arg8[%swap3A_180], %broadcast_in_dim3A_133 {strides = array<i32>} : memref<8320xf32, #tpu.memory_space<vmem>>, vector<16xf32>,
      %add3A_182 = arith.constant 0 : i32
      %add3A_183 = vector.broadcast %add3A_182 : i32 to vector<16xi32>
      %add3A_184 = arith.addi %add3A_183, %iota3A : vector<16xi32>
      %add3A_185 = arith.constant 16 : i32
      %add3A_186 = vector.broadcast %add3A_185 : i32 to vector<16xi32>
      %add3A_187 = arith.addi %add3A_186, %iota3A : vector<16xi32>
      %add3A_188 = arith.constant 32 : i32
      %add3A_189 = vector.broadcast %add3A_188 : i32 to vector<16xi32>
      %add3A_190 = arith.addi %add3A_189, %iota3A : vector<16xi32>
      %add3A_191 = arith.constant 48 : i32
      %add3A_192 = vector.broadcast %add3A_191 : i32 to vector<16xi32>
      %add3A_193 = arith.addi %add3A_192, %iota3A : vector<16xi32>
      %gather3A = tpu.vector_load_idx %arg7[%add3A_184] : memref<8320xf32, #tpu.memory_space<vmem>>[vector<16xi32>], vector<16xf32>,
      %gather3A_194 = tpu.vector_load_idx %arg8[%add3A_184] : memref<8320xf32, #tpu.memory_space<vmem>>[vector<16xi32>], vector<16xf32>,
      %broadcast_in_dim3A_195 = arith.constant 0.000000e+00 : f32
      %broadcast_in_dim3A_196 = vector.broadcast %broadcast_in_dim3A_195 : f32 to vector<16xf32>
      %broadcast_in_dim3A_197 = arith.constant 0.000000e+00 : f32
      %broadcast_in_dim3A_198 = vector.broadcast %broadcast_in_dim3A_197 : f32 to vector<16xf32>
      %broadcast_in_dim3A_199 = arith.constant 0.000000e+00 : f32
      %broadcast_in_dim3A_200 = vector.broadcast %broadcast_in_dim3A_199 : f32 to vector<16xf32>
      %gather3A_201 = tpu.vector_load_idx %arg7[%add3A_187] : memref<8320xf32, #tpu.memory_space<vmem>>[vector<16xi32>], vector<16xf32>,
      %gather3A_202 = tpu.vector_load_idx %arg8[%add3A_187] : memref<8320xf32, #tpu.memory_space<vmem>>[vector<16xi32>], vector<16xf32>,
      %broadcast_in_dim3A_203 = arith.constant 0.000000e+00 : f32
      %broadcast_in_dim3A_204 = vector.broadcast %broadcast_in_dim3A_203 : f32 to vector<16xf32>
      %broadcast_in_dim3A_205 = arith.constant 0.000000e+00 : f32
      %broadcast_in_dim3A_206 = vector.broadcast %broadcast_in_dim3A_205 : f32 to vector<16xf32>
      %broadcast_in_dim3A_207 = arith.constant 0.000000e+00 : f32
      %broadcast_in_dim3A_208 = vector.broadcast %broadcast_in_dim3A_207 : f32 to vector<16xf32>
      %gather3A_209 = tpu.vector_load_idx %arg7[%add3A_190] : memref<8320xf32, #tpu.memory_space<vmem>>[vector<16xi32>], vector<16xf32>,
      %gather3A_210 = tpu.vector_load_idx %arg8[%add3A_190] : memref<8320xf32, #tpu.memory_space<vmem>>[vector<16xi32>], vector<16xf32>,
      %broadcast_in_dim3A_211 = arith.constant 0.000000e+00 : f32
      %broadcast_in_dim3A_212 = vector.broadcast %broadcast_in_dim3A_211 : f32 to vector<16xf32>
      %broadcast_in_dim3A_213 = arith.constant 0.000000e+00 : f32
      %broadcast_in_dim3A_214 = vector.broadcast %broadcast_in_dim3A_213 : f32 to vector<16xf32>
      %broadcast_in_dim3A_215 = arith.constant 0.000000e+00 : f32
      %broadcast_in_dim3A_216 = vector.broadcast %broadcast_in_dim3A_215 : f32 to vector<16xf32>
      %gather3A_217 = tpu.vector_load_idx %arg7[%add3A_193] : memref<8320xf32, #tpu.memory_space<vmem>>[vector<16xi32>], vector<16xf32>,
      %gather3A_218 = tpu.vector_load_idx %arg8[%add3A_193] : memref<8320xf32, #tpu.memory_space<vmem>>[vector<16xi32>], vector<16xf32>,
      %broadcast_in_dim3A_219 = arith.constant 0.000000e+00 : f32
      %broadcast_in_dim3A_220 = vector.broadcast %broadcast_in_dim3A_219 : f32 to vector<16xf32>
      %broadcast_in_dim3A_221 = arith.constant 0.000000e+00 : f32
      %broadcast_in_dim3A_222 = vector.broadcast %broadcast_in_dim3A_221 : f32 to vector<16xf32>
      %broadcast_in_dim3A_223 = arith.constant 0.000000e+00 : f32
      %broadcast_in_dim3A_224 = vector.broadcast %broadcast_in_dim3A_223 : f32 to vector<16xf32>
      %scan3A_225 = arith.constant 1.000000e+00 : f32
      %scan3A_226 = arith.constant 0 : i32
      %scan3A_227 = arith.constant 32 : i32
      %scan3A_228 = arith.addi %scan3A_226, %scan3A_227 : i32
      %scan3A_229 = arith.constant 1 : i32
      %scan3A_230:28 = scf.for %scan3A_276 = %scan3A_226 to %scan3A_228 step %scan3A_229 iter_args(%scan3A_277 = %add3A_184, %scan3A_278 = %add3A_184, %scan3A_279 = %gather3A, %scan3A_280 = %gather3A_194, %scan3A_281 = %broadcast_in_dim3A_196, %scan3A_282 = %broadcast_in_dim3A_198, %scan3A_283 = %broadcast_in_dim3A_200, %scan3A_284 = %add3A_187, %scan3A_285 = %add3A_187, %scan3A_286 = %gather3A_201, %scan3A_287 = %gather3A_202, %scan3A_288 = %broadcast_in_dim3A_204, %scan3A_289 = %broadcast_in_dim3A_206, %scan3A_290 = %broadcast_in_dim3A_208, %scan3A_291 = %add3A_190, %scan3A_292 = %add3A_190, %scan3A_293 = %gather3A_209, %scan3A_294 = %gather3A_210, %scan3A_295 = %broadcast_in_dim3A_212, %scan3A_296 = %broadcast_in_dim3A_214, %scan3A_297 = %broadcast_in_dim3A_216, %scan3A_298 = %add3A_193, %scan3A_299 = %add3A_193, %scan3A_300 = %gather3A_217, %scan3A_301 = %gather3A_218, %scan3A_302 = %broadcast_in_dim3A_220, %scan3A_303 = %broadcast_in_dim3A_222, %scan3A_304 = %broadcast_in_dim3A_224) -> (vector<16xi32>, vector<16xi32>, vector<16xf32>, vector<16xf32>, vector<16xf32>, vector<16xf32>, vector<16xf32>, vector<16xi32>, vector<16xi32>, vector<16xf32>, vector<16xf32>, vector<16xf32>, vector<16xf32>, vector<16xf32>, vector<16xi32>, vector<16xi32>, vector<16xf32>, vector<16xf32>, vector<16xf32>, vector<16xf32>, vector<16xf32>, vector<16xi32>, vector<16xi32>, vector<16xf32>, vector<16xf32>, vector<16xf32>, vector<16xf32>, vector<16xf32>)  : i32 {
        %add3A_305 = arith.constant 64 : i32
        %add3A_306 = vector.broadcast %add3A_305 : i32 to vector<16xi32>
        %add3A_307 = arith.addi %scan3A_277, %add3A_306 : vector<16xi32>
        %gather3A_308 = tpu.vector_load_idx %arg7[%add3A_307] : memref<8320xf32, #tpu.memory_space<vmem>>[vector<16xi32>], vector<16xf32>,
        %add3A_309 = arith.constant 64 : i32
        %add3A_310 = vector.broadcast %add3A_309 : i32 to vector<16xi32>
        %add3A_311 = arith.addi %scan3A_278, %add3A_310 : vector<16xi32>
        %gather3A_312 = tpu.vector_load_idx %arg8[%add3A_311] : memref<8320xf32, #tpu.memory_space<vmem>>[vector<16xi32>], vector<16xf32>,
        %le3A = arith.cmpf ole, %scan3A_279, %scan3A_280 : vector<16xf32>
        %min3A = arith.minimumf %scan3A_279, %scan3A_280 : vector<16xf32>
        %sub3A_313 = arith.subf %min3A, %scan3A_282 : vector<16xf32>
        %mul3A_314 = arith.mulf %sub3A_313, %scan3A_281 : vector<16xf32>
        %mul3A_315 = arith.mulf %mul3A_314, %scan3A_281 : vector<16xf32>
        %add3A_316 = arith.addf %scan3A_283, %mul3A_315 : vector<16xf32>
        %add3A_317 = arith.constant 64 : i32
        %add3A_318 = vector.broadcast %add3A_317 : i32 to vector<16xi32>
        %add3A_319 = arith.addi %scan3A_277, %add3A_318 : vector<16xi32>
        %select_n3A_320 = arith.select %le3A, %add3A_319, %scan3A_277 : vector<16xi1>, vector<16xi32>
        %add3A_321 = arith.constant 64 : i32
        %add3A_322 = vector.broadcast %add3A_321 : i32 to vector<16xi32>
        %add3A_323 = arith.addi %scan3A_278, %add3A_322 : vector<16xi32>
        %select_n3A_324 = arith.select %le3A, %scan3A_278, %add3A_323 : vector<16xi1>, vector<16xi32>
        %neg3A = arith.constant 0.000000e+00 : f32
        %neg3A_325 = arith.subf %neg3A, %scan3A_225 : f32
        %broadcast_in_dim3A_326 = vector.broadcast %scan3A_225 : f32 to vector<16xf32>
        %broadcast_in_dim3A_327 = vector.broadcast %neg3A_325 : f32 to vector<16xf32>
        %select_n3A_328 = arith.select %le3A, %broadcast_in_dim3A_326, %broadcast_in_dim3A_327 : vector<16xi1>, vector<16xf32>
        %add3A_329 = arith.addf %scan3A_281, %select_n3A_328 : vector<16xf32>
        %select_n3A_330 = arith.select %le3A, %gather3A_308, %scan3A_279 : vector<16xi1>, vector<16xf32>
        %select_n3A_331 = arith.select %le3A, %scan3A_280, %gather3A_312 : vector<16xi1>, vector<16xf32>
        %add3A_332 = arith.constant 64 : i32
        %add3A_333 = vector.broadcast %add3A_332 : i32 to vector<16xi32>
        %add3A_334 = arith.addi %scan3A_284, %add3A_333 : vector<16xi32>
        %gather3A_335 = tpu.vector_load_idx %arg7[%add3A_334] : memref<8320xf32, #tpu.memory_space<vmem>>[vector<16xi32>], vector<16xf32>,
        %add3A_336 = arith.constant 64 : i32
        %add3A_337 = vector.broadcast %add3A_336 : i32 to vector<16xi32>
        %add3A_338 = arith.addi %scan3A_285, %add3A_337 : vector<16xi32>
        %gather3A_339 = tpu.vector_load_idx %arg8[%add3A_338] : memref<8320xf32, #tpu.memory_space<vmem>>[vector<16xi32>], vector<16xf32>,
        %le3A_340 = arith.cmpf ole, %scan3A_286, %scan3A_287 : vector<16xf32>
        %min3A_341 = arith.minimumf %scan3A_286, %scan3A_287 : vector<16xf32>
        %sub3A_342 = arith.subf %min3A_341, %scan3A_289 : vector<16xf32>
        %mul3A_343 = arith.mulf %sub3A_342, %scan3A_288 : vector<16xf32>
        %mul3A_344 = arith.mulf %mul3A_343, %scan3A_288 : vector<16xf32>
        %add3A_345 = arith.addf %scan3A_290, %mul3A_344 : vector<16xf32>
        %add3A_346 = arith.constant 64 : i32
        %add3A_347 = vector.broadcast %add3A_346 : i32 to vector<16xi32>
        %add3A_348 = arith.addi %scan3A_284, %add3A_347 : vector<16xi32>
        %select_n3A_349 = arith.select %le3A_340, %add3A_348, %scan3A_284 : vector<16xi1>, vector<16xi32>
        %add3A_350 = arith.constant 64 : i32
        %add3A_351 = vector.broadcast %add3A_350 : i32 to vector<16xi32>
        %add3A_352 = arith.addi %scan3A_285, %add3A_351 : vector<16xi32>
        %select_n3A_353 = arith.select %le3A_340, %scan3A_285, %add3A_352 : vector<16xi1>, vector<16xi32>
        %neg3A_354 = arith.constant 0.000000e+00 : f32
        %neg3A_355 = arith.subf %neg3A_354, %scan3A_225 : f32
        %broadcast_in_dim3A_356 = vector.broadcast %scan3A_225 : f32 to vector<16xf32>
        %broadcast_in_dim3A_357 = vector.broadcast %neg3A_355 : f32 to vector<16xf32>
        %select_n3A_358 = arith.select %le3A_340, %broadcast_in_dim3A_356, %broadcast_in_dim3A_357 : vector<16xi1>, vector<16xf32>
        %add3A_359 = arith.addf %scan3A_288, %select_n3A_358 : vector<16xf32>
        %select_n3A_360 = arith.select %le3A_340, %gather3A_335, %scan3A_286 : vector<16xi1>, vector<16xf32>
        %select_n3A_361 = arith.select %le3A_340, %scan3A_287, %gather3A_339 : vector<16xi1>, vector<16xf32>
        %add3A_362 = arith.constant 64 : i32
        %add3A_363 = vector.broadcast %add3A_362 : i32 to vector<16xi32>
        %add3A_364 = arith.addi %scan3A_291, %add3A_363 : vector<16xi32>
        %gather3A_365 = tpu.vector_load_idx %arg7[%add3A_364] : memref<8320xf32, #tpu.memory_space<vmem>>[vector<16xi32>], vector<16xf32>,
        %add3A_366 = arith.constant 64 : i32
        %add3A_367 = vector.broadcast %add3A_366 : i32 to vector<16xi32>
        %add3A_368 = arith.addi %scan3A_292, %add3A_367 : vector<16xi32>
        %gather3A_369 = tpu.vector_load_idx %arg8[%add3A_368] : memref<8320xf32, #tpu.memory_space<vmem>>[vector<16xi32>], vector<16xf32>,
        %le3A_370 = arith.cmpf ole, %scan3A_293, %scan3A_294 : vector<16xf32>
        %min3A_371 = arith.minimumf %scan3A_293, %scan3A_294 : vector<16xf32>
        %sub3A_372 = arith.subf %min3A_371, %scan3A_296 : vector<16xf32>
        %mul3A_373 = arith.mulf %sub3A_372, %scan3A_295 : vector<16xf32>
        %mul3A_374 = arith.mulf %mul3A_373, %scan3A_295 : vector<16xf32>
        %add3A_375 = arith.addf %scan3A_297, %mul3A_374 : vector<16xf32>
        %add3A_376 = arith.constant 64 : i32
        %add3A_377 = vector.broadcast %add3A_376 : i32 to vector<16xi32>
        %add3A_378 = arith.addi %scan3A_291, %add3A_377 : vector<16xi32>
        %select_n3A_379 = arith.select %le3A_370, %add3A_378, %scan3A_291 : vector<16xi1>, vector<16xi32>
        %add3A_380 = arith.constant 64 : i32
        %add3A_381 = vector.broadcast %add3A_380 : i32 to vector<16xi32>
        %add3A_382 = arith.addi %scan3A_292, %add3A_381 : vector<16xi32>
        %select_n3A_383 = arith.select %le3A_370, %scan3A_292, %add3A_382 : vector<16xi1>, vector<16xi32>
        %neg3A_384 = arith.constant 0.000000e+00 : f32
        %neg3A_385 = arith.subf %neg3A_384, %scan3A_225 : f32
        %broadcast_in_dim3A_386 = vector.broadcast %scan3A_225 : f32 to vector<16xf32>
        %broadcast_in_dim3A_387 = vector.broadcast %neg3A_385 : f32 to vector<16xf32>
        %select_n3A_388 = arith.select %le3A_370, %broadcast_in_dim3A_386, %broadcast_in_dim3A_387 : vector<16xi1>, vector<16xf32>
        %add3A_389 = arith.addf %scan3A_295, %select_n3A_388 : vector<16xf32>
        %select_n3A_390 = arith.select %le3A_370, %gather3A_365, %scan3A_293 : vector<16xi1>, vector<16xf32>
        %select_n3A_391 = arith.select %le3A_370, %scan3A_294, %gather3A_369 : vector<16xi1>, vector<16xf32>
        %add3A_392 = arith.constant 64 : i32
        %add3A_393 = vector.broadcast %add3A_392 : i32 to vector<16xi32>
        %add3A_394 = arith.addi %scan3A_298, %add3A_393 : vector<16xi32>
        %gather3A_395 = tpu.vector_load_idx %arg7[%add3A_394] : memref<8320xf32, #tpu.memory_space<vmem>>[vector<16xi32>], vector<16xf32>,
        %add3A_396 = arith.constant 64 : i32
        %add3A_397 = vector.broadcast %add3A_396 : i32 to vector<16xi32>
        %add3A_398 = arith.addi %scan3A_299, %add3A_397 : vector<16xi32>
        %gather3A_399 = tpu.vector_load_idx %arg8[%add3A_398] : memref<8320xf32, #tpu.memory_space<vmem>>[vector<16xi32>], vector<16xf32>,
        %le3A_400 = arith.cmpf ole, %scan3A_300, %scan3A_301 : vector<16xf32>
        %min3A_401 = arith.minimumf %scan3A_300, %scan3A_301 : vector<16xf32>
        %sub3A_402 = arith.subf %min3A_401, %scan3A_303 : vector<16xf32>
        %mul3A_403 = arith.mulf %sub3A_402, %scan3A_302 : vector<16xf32>
        %mul3A_404 = arith.mulf %mul3A_403, %scan3A_302 : vector<16xf32>
        %add3A_405 = arith.addf %scan3A_304, %mul3A_404 : vector<16xf32>
        %add3A_406 = arith.constant 64 : i32
        %add3A_407 = vector.broadcast %add3A_406 : i32 to vector<16xi32>
        %add3A_408 = arith.addi %scan3A_298, %add3A_407 : vector<16xi32>
        %select_n3A_409 = arith.select %le3A_400, %add3A_408, %scan3A_298 : vector<16xi1>, vector<16xi32>
        %add3A_410 = arith.constant 64 : i32
        %add3A_411 = vector.broadcast %add3A_410 : i32 to vector<16xi32>
        %add3A_412 = arith.addi %scan3A_299, %add3A_411 : vector<16xi32>
        %select_n3A_413 = arith.select %le3A_400, %scan3A_299, %add3A_412 : vector<16xi1>, vector<16xi32>
        %neg3A_414 = arith.constant 0.000000e+00 : f32
        %neg3A_415 = arith.subf %neg3A_414, %scan3A_225 : f32
        %broadcast_in_dim3A_416 = vector.broadcast %scan3A_225 : f32 to vector<16xf32>
        %broadcast_in_dim3A_417 = vector.broadcast %neg3A_415 : f32 to vector<16xf32>
        %select_n3A_418 = arith.select %le3A_400, %broadcast_in_dim3A_416, %broadcast_in_dim3A_417 : vector<16xi1>, vector<16xf32>
        %add3A_419 = arith.addf %scan3A_302, %select_n3A_418 : vector<16xf32>
        %select_n3A_420 = arith.select %le3A_400, %gather3A_395, %scan3A_300 : vector<16xi1>, vector<16xf32>
        %select_n3A_421 = arith.select %le3A_400, %scan3A_301, %gather3A_399 : vector<16xi1>, vector<16xf32>
        %add3A_422 = arith.constant 64 : i32
        %add3A_423 = vector.broadcast %add3A_422 : i32 to vector<16xi32>
        %add3A_424 = arith.addi %select_n3A_320, %add3A_423 : vector<16xi32>
        %gather3A_425 = tpu.vector_load_idx %arg7[%add3A_424] : memref<8320xf32, #tpu.memory_space<vmem>>[vector<16xi32>], vector<16xf32>,
        %add3A_426 = arith.constant 64 : i32
        %add3A_427 = vector.broadcast %add3A_426 : i32 to vector<16xi32>
        %add3A_428 = arith.addi %select_n3A_324, %add3A_427 : vector<16xi32>
        %gather3A_429 = tpu.vector_load_idx %arg8[%add3A_428] : memref<8320xf32, #tpu.memory_space<vmem>>[vector<16xi32>], vector<16xf32>,
        %le3A_430 = arith.cmpf ole, %select_n3A_330, %select_n3A_331 : vector<16xf32>
        %min3A_431 = arith.minimumf %select_n3A_330, %select_n3A_331 : vector<16xf32>
        %sub3A_432 = arith.subf %min3A_431, %min3A : vector<16xf32>
        %mul3A_433 = arith.mulf %sub3A_432, %add3A_329 : vector<16xf32>
        %mul3A_434 = arith.mulf %mul3A_433, %add3A_329 : vector<16xf32>
        %add3A_435 = arith.addf %add3A_316, %mul3A_434 : vector<16xf32>
        %add3A_436 = arith.constant 64 : i32
        %add3A_437 = vector.broadcast %add3A_436 : i32 to vector<16xi32>
        %add3A_438 = arith.addi %select_n3A_320, %add3A_437 : vector<16xi32>
        %select_n3A_439 = arith.select %le3A_430, %add3A_438, %select_n3A_320 : vector<16xi1>, vector<16xi32>
        %add3A_440 = arith.constant 64 : i32
        %add3A_441 = vector.broadcast %add3A_440 : i32 to vector<16xi32>
        %add3A_442 = arith.addi %select_n3A_324, %add3A_441 : vector<16xi32>
        %select_n3A_443 = arith.select %le3A_430, %select_n3A_324, %add3A_442 : vector<16xi1>, vector<16xi32>
        %neg3A_444 = arith.constant 0.000000e+00 : f32
        %neg3A_445 = arith.subf %neg3A_444, %scan3A_225 : f32
        %broadcast_in_dim3A_446 = vector.broadcast %scan3A_225 : f32 to vector<16xf32>
        %broadcast_in_dim3A_447 = vector.broadcast %neg3A_445 : f32 to vector<16xf32>
        %select_n3A_448 = arith.select %le3A_430, %broadcast_in_dim3A_446, %broadcast_in_dim3A_447 : vector<16xi1>, vector<16xf32>
        %add3A_449 = arith.addf %add3A_329, %select_n3A_448 : vector<16xf32>
        %select_n3A_450 = arith.select %le3A_430, %gather3A_425, %select_n3A_330 : vector<16xi1>, vector<16xf32>
        %select_n3A_451 = arith.select %le3A_430, %select_n3A_331, %gather3A_429 : vector<16xi1>, vector<16xf32>
        %add3A_452 = arith.constant 64 : i32
        %add3A_453 = vector.broadcast %add3A_452 : i32 to vector<16xi32>
        %add3A_454 = arith.addi %select_n3A_349, %add3A_453 : vector<16xi32>
        %gather3A_455 = tpu.vector_load_idx %arg7[%add3A_454] : memref<8320xf32, #tpu.memory_space<vmem>>[vector<16xi32>], vector<16xf32>,
        %add3A_456 = arith.constant 64 : i32
        %add3A_457 = vector.broadcast %add3A_456 : i32 to vector<16xi32>
        %add3A_458 = arith.addi %select_n3A_353, %add3A_457 : vector<16xi32>
        %gather3A_459 = tpu.vector_load_idx %arg8[%add3A_458] : memref<8320xf32, #tpu.memory_space<vmem>>[vector<16xi32>], vector<16xf32>,
        %le3A_460 = arith.cmpf ole, %select_n3A_360, %select_n3A_361 : vector<16xf32>
        %min3A_461 = arith.minimumf %select_n3A_360, %select_n3A_361 : vector<16xf32>
        %sub3A_462 = arith.subf %min3A_461, %min3A_341 : vector<16xf32>
        %mul3A_463 = arith.mulf %sub3A_462, %add3A_359 : vector<16xf32>
        %mul3A_464 = arith.mulf %mul3A_463, %add3A_359 : vector<16xf32>
        %add3A_465 = arith.addf %add3A_345, %mul3A_464 : vector<16xf32>
        %add3A_466 = arith.constant 64 : i32
        %add3A_467 = vector.broadcast %add3A_466 : i32 to vector<16xi32>
        %add3A_468 = arith.addi %select_n3A_349, %add3A_467 : vector<16xi32>
        %select_n3A_469 = arith.select %le3A_460, %add3A_468, %select_n3A_349 : vector<16xi1>, vector<16xi32>
        %add3A_470 = arith.constant 64 : i32
        %add3A_471 = vector.broadcast %add3A_470 : i32 to vector<16xi32>
        %add3A_472 = arith.addi %select_n3A_353, %add3A_471 : vector<16xi32>
        %select_n3A_473 = arith.select %le3A_460, %select_n3A_353, %add3A_472 : vector<16xi1>, vector<16xi32>
        %neg3A_474 = arith.constant 0.000000e+00 : f32
        %neg3A_475 = arith.subf %neg3A_474, %scan3A_225 : f32
        %broadcast_in_dim3A_476 = vector.broadcast %scan3A_225 : f32 to vector<16xf32>
        %broadcast_in_dim3A_477 = vector.broadcast %neg3A_475 : f32 to vector<16xf32>
        %select_n3A_478 = arith.select %le3A_460, %broadcast_in_dim3A_476, %broadcast_in_dim3A_477 : vector<16xi1>, vector<16xf32>
        %add3A_479 = arith.addf %add3A_359, %select_n3A_478 : vector<16xf32>
        %select_n3A_480 = arith.select %le3A_460, %gather3A_455, %select_n3A_360 : vector<16xi1>, vector<16xf32>
        %select_n3A_481 = arith.select %le3A_460, %select_n3A_361, %gather3A_459 : vector<16xi1>, vector<16xf32>
        %add3A_482 = arith.constant 64 : i32
        %add3A_483 = vector.broadcast %add3A_482 : i32 to vector<16xi32>
        %add3A_484 = arith.addi %select_n3A_379, %add3A_483 : vector<16xi32>
        %gather3A_485 = tpu.vector_load_idx %arg7[%add3A_484] : memref<8320xf32, #tpu.memory_space<vmem>>[vector<16xi32>], vector<16xf32>,
        %add3A_486 = arith.constant 64 : i32
        %add3A_487 = vector.broadcast %add3A_486 : i32 to vector<16xi32>
        %add3A_488 = arith.addi %select_n3A_383, %add3A_487 : vector<16xi32>
        %gather3A_489 = tpu.vector_load_idx %arg8[%add3A_488] : memref<8320xf32, #tpu.memory_space<vmem>>[vector<16xi32>], vector<16xf32>,
        %le3A_490 = arith.cmpf ole, %select_n3A_390, %select_n3A_391 : vector<16xf32>
        %min3A_491 = arith.minimumf %select_n3A_390, %select_n3A_391 : vector<16xf32>
        %sub3A_492 = arith.subf %min3A_491, %min3A_371 : vector<16xf32>
        %mul3A_493 = arith.mulf %sub3A_492, %add3A_389 : vector<16xf32>
        %mul3A_494 = arith.mulf %mul3A_493, %add3A_389 : vector<16xf32>
        %add3A_495 = arith.addf %add3A_375, %mul3A_494 : vector<16xf32>
        %add3A_496 = arith.constant 64 : i32
        %add3A_497 = vector.broadcast %add3A_496 : i32 to vector<16xi32>
        %add3A_498 = arith.addi %select_n3A_379, %add3A_497 : vector<16xi32>
        %select_n3A_499 = arith.select %le3A_490, %add3A_498, %select_n3A_379 : vector<16xi1>, vector<16xi32>
        %add3A_500 = arith.constant 64 : i32
        %add3A_501 = vector.broadcast %add3A_500 : i32 to vector<16xi32>
        %add3A_502 = arith.addi %select_n3A_383, %add3A_501 : vector<16xi32>
        %select_n3A_503 = arith.select %le3A_490, %select_n3A_383, %add3A_502 : vector<16xi1>, vector<16xi32>
        %neg3A_504 = arith.constant 0.000000e+00 : f32
        %neg3A_505 = arith.subf %neg3A_504, %scan3A_225 : f32
        %broadcast_in_dim3A_506 = vector.broadcast %scan3A_225 : f32 to vector<16xf32>
        %broadcast_in_dim3A_507 = vector.broadcast %neg3A_505 : f32 to vector<16xf32>
        %select_n3A_508 = arith.select %le3A_490, %broadcast_in_dim3A_506, %broadcast_in_dim3A_507 : vector<16xi1>, vector<16xf32>
        %add3A_509 = arith.addf %add3A_389, %select_n3A_508 : vector<16xf32>
        %select_n3A_510 = arith.select %le3A_490, %gather3A_485, %select_n3A_390 : vector<16xi1>, vector<16xf32>
        %select_n3A_511 = arith.select %le3A_490, %select_n3A_391, %gather3A_489 : vector<16xi1>, vector<16xf32>
        %add3A_512 = arith.constant 64 : i32
        %add3A_513 = vector.broadcast %add3A_512 : i32 to vector<16xi32>
        %add3A_514 = arith.addi %select_n3A_409, %add3A_513 : vector<16xi32>
        %gather3A_515 = tpu.vector_load_idx %arg7[%add3A_514] : memref<8320xf32, #tpu.memory_space<vmem>>[vector<16xi32>], vector<16xf32>,
        %add3A_516 = arith.constant 64 : i32
        %add3A_517 = vector.broadcast %add3A_516 : i32 to vector<16xi32>
        %add3A_518 = arith.addi %select_n3A_413, %add3A_517 : vector<16xi32>
        %gather3A_519 = tpu.vector_load_idx %arg8[%add3A_518] : memref<8320xf32, #tpu.memory_space<vmem>>[vector<16xi32>], vector<16xf32>,
        %le3A_520 = arith.cmpf ole, %select_n3A_420, %select_n3A_421 : vector<16xf32>
        %min3A_521 = arith.minimumf %select_n3A_420, %select_n3A_421 : vector<16xf32>
        %sub3A_522 = arith.subf %min3A_521, %min3A_401 : vector<16xf32>
        %mul3A_523 = arith.mulf %sub3A_522, %add3A_419 : vector<16xf32>
        %mul3A_524 = arith.mulf %mul3A_523, %add3A_419 : vector<16xf32>
        %add3A_525 = arith.addf %add3A_405, %mul3A_524 : vector<16xf32>
        %add3A_526 = arith.constant 64 : i32
        %add3A_527 = vector.broadcast %add3A_526 : i32 to vector<16xi32>
        %add3A_528 = arith.addi %select_n3A_409, %add3A_527 : vector<16xi32>
        %select_n3A_529 = arith.select %le3A_520, %add3A_528, %select_n3A_409 : vector<16xi1>, vector<16xi32>
        %add3A_530 = arith.constant 64 : i32
        %add3A_531 = vector.broadcast %add3A_530 : i32 to vector<16xi32>
        %add3A_532 = arith.addi %select_n3A_413, %add3A_531 : vector<16xi32>
        %select_n3A_533 = arith.select %le3A_520, %select_n3A_413, %add3A_532 : vector<16xi1>, vector<16xi32>
        %neg3A_534 = arith.constant 0.000000e+00 : f32
        %neg3A_535 = arith.subf %neg3A_534, %scan3A_225 : f32
        %broadcast_in_dim3A_536 = vector.broadcast %scan3A_225 : f32 to vector<16xf32>
        %broadcast_in_dim3A_537 = vector.broadcast %neg3A_535 : f32 to vector<16xf32>
        %select_n3A_538 = arith.select %le3A_520, %broadcast_in_dim3A_536, %broadcast_in_dim3A_537 : vector<16xi1>, vector<16xf32>
        %add3A_539 = arith.addf %add3A_419, %select_n3A_538 : vector<16xf32>
        %select_n3A_540 = arith.select %le3A_520, %gather3A_515, %select_n3A_420 : vector<16xi1>, vector<16xf32>
        %select_n3A_541 = arith.select %le3A_520, %select_n3A_421, %gather3A_519 : vector<16xi1>, vector<16xf32>
        %add3A_542 = arith.constant 64 : i32
        %add3A_543 = vector.broadcast %add3A_542 : i32 to vector<16xi32>
        %add3A_544 = arith.addi %select_n3A_439, %add3A_543 : vector<16xi32>
        %gather3A_545 = tpu.vector_load_idx %arg7[%add3A_544] : memref<8320xf32, #tpu.memory_space<vmem>>[vector<16xi32>], vector<16xf32>,
        %add3A_546 = arith.constant 64 : i32
        %add3A_547 = vector.broadcast %add3A_546 : i32 to vector<16xi32>
        %add3A_548 = arith.addi %select_n3A_443, %add3A_547 : vector<16xi32>
        %gather3A_549 = tpu.vector_load_idx %arg8[%add3A_548] : memref<8320xf32, #tpu.memory_space<vmem>>[vector<16xi32>], vector<16xf32>,
        %le3A_550 = arith.cmpf ole, %select_n3A_450, %select_n3A_451 : vector<16xf32>
        %min3A_551 = arith.minimumf %select_n3A_450, %select_n3A_451 : vector<16xf32>
        %sub3A_552 = arith.subf %min3A_551, %min3A_431 : vector<16xf32>
        %mul3A_553 = arith.mulf %sub3A_552, %add3A_449 : vector<16xf32>
        %mul3A_554 = arith.mulf %mul3A_553, %add3A_449 : vector<16xf32>
        %add3A_555 = arith.addf %add3A_435, %mul3A_554 : vector<16xf32>
        %add3A_556 = arith.constant 64 : i32
        %add3A_557 = vector.broadcast %add3A_556 : i32 to vector<16xi32>
        %add3A_558 = arith.addi %select_n3A_439, %add3A_557 : vector<16xi32>
        %select_n3A_559 = arith.select %le3A_550, %add3A_558, %select_n3A_439 : vector<16xi1>, vector<16xi32>
        %add3A_560 = arith.constant 64 : i32
        %add3A_561 = vector.broadcast %add3A_560 : i32 to vector<16xi32>
        %add3A_562 = arith.addi %select_n3A_443, %add3A_561 : vector<16xi32>
        %select_n3A_563 = arith.select %le3A_550, %select_n3A_443, %add3A_562 : vector<16xi1>, vector<16xi32>
        %neg3A_564 = arith.constant 0.000000e+00 : f32
        %neg3A_565 = arith.subf %neg3A_564, %scan3A_225 : f32
        %broadcast_in_dim3A_566 = vector.broadcast %scan3A_225 : f32 to vector<16xf32>
        %broadcast_in_dim3A_567 = vector.broadcast %neg3A_565 : f32 to vector<16xf32>
        %select_n3A_568 = arith.select %le3A_550, %broadcast_in_dim3A_566, %broadcast_in_dim3A_567 : vector<16xi1>, vector<16xf32>
        %add3A_569 = arith.addf %add3A_449, %select_n3A_568 : vector<16xf32>
        %select_n3A_570 = arith.select %le3A_550, %gather3A_545, %select_n3A_450 : vector<16xi1>, vector<16xf32>
        %select_n3A_571 = arith.select %le3A_550, %select_n3A_451, %gather3A_549 : vector<16xi1>, vector<16xf32>
        %add3A_572 = arith.constant 64 : i32
        %add3A_573 = vector.broadcast %add3A_572 : i32 to vector<16xi32>
        %add3A_574 = arith.addi %select_n3A_469, %add3A_573 : vector<16xi32>
        %gather3A_575 = tpu.vector_load_idx %arg7[%add3A_574] : memref<8320xf32, #tpu.memory_space<vmem>>[vector<16xi32>], vector<16xf32>,
        %add3A_576 = arith.constant 64 : i32
        %add3A_577 = vector.broadcast %add3A_576 : i32 to vector<16xi32>
        %add3A_578 = arith.addi %select_n3A_473, %add3A_577 : vector<16xi32>
        %gather3A_579 = tpu.vector_load_idx %arg8[%add3A_578] : memref<8320xf32, #tpu.memory_space<vmem>>[vector<16xi32>], vector<16xf32>,
        %le3A_580 = arith.cmpf ole, %select_n3A_480, %select_n3A_481 : vector<16xf32>
        %min3A_581 = arith.minimumf %select_n3A_480, %select_n3A_481 : vector<16xf32>
        %sub3A_582 = arith.subf %min3A_581, %min3A_461 : vector<16xf32>
        %mul3A_583 = arith.mulf %sub3A_582, %add3A_479 : vector<16xf32>
        %mul3A_584 = arith.mulf %mul3A_583, %add3A_479 : vector<16xf32>
        %add3A_585 = arith.addf %add3A_465, %mul3A_584 : vector<16xf32>
        %add3A_586 = arith.constant 64 : i32
        %add3A_587 = vector.broadcast %add3A_586 : i32 to vector<16xi32>
        %add3A_588 = arith.addi %select_n3A_469, %add3A_587 : vector<16xi32>
        %select_n3A_589 = arith.select %le3A_580, %add3A_588, %select_n3A_469 : vector<16xi1>, vector<16xi32>
        %add3A_590 = arith.constant 64 : i32
        %add3A_591 = vector.broadcast %add3A_590 : i32 to vector<16xi32>
        %add3A_592 = arith.addi %select_n3A_473, %add3A_591 : vector<16xi32>
        %select_n3A_593 = arith.select %le3A_580, %select_n3A_473, %add3A_592 : vector<16xi1>, vector<16xi32>
        %neg3A_594 = arith.constant 0.000000e+00 : f32
        %neg3A_595 = arith.subf %neg3A_594, %scan3A_225 : f32
        %broadcast_in_dim3A_596 = vector.broadcast %scan3A_225 : f32 to vector<16xf32>
        %broadcast_in_dim3A_597 = vector.broadcast %neg3A_595 : f32 to vector<16xf32>
        %select_n3A_598 = arith.select %le3A_580, %broadcast_in_dim3A_596, %broadcast_in_dim3A_597 : vector<16xi1>, vector<16xf32>
        %add3A_599 = arith.addf %add3A_479, %select_n3A_598 : vector<16xf32>
        %select_n3A_600 = arith.select %le3A_580, %gather3A_575, %select_n3A_480 : vector<16xi1>, vector<16xf32>
        %select_n3A_601 = arith.select %le3A_580, %select_n3A_481, %gather3A_579 : vector<16xi1>, vector<16xf32>
        %add3A_602 = arith.constant 64 : i32
        %add3A_603 = vector.broadcast %add3A_602 : i32 to vector<16xi32>
        %add3A_604 = arith.addi %select_n3A_499, %add3A_603 : vector<16xi32>
        %gather3A_605 = tpu.vector_load_idx %arg7[%add3A_604] : memref<8320xf32, #tpu.memory_space<vmem>>[vector<16xi32>], vector<16xf32>,
        %add3A_606 = arith.constant 64 : i32
        %add3A_607 = vector.broadcast %add3A_606 : i32 to vector<16xi32>
        %add3A_608 = arith.addi %select_n3A_503, %add3A_607 : vector<16xi32>
        %gather3A_609 = tpu.vector_load_idx %arg8[%add3A_608] : memref<8320xf32, #tpu.memory_space<vmem>>[vector<16xi32>], vector<16xf32>,
        %le3A_610 = arith.cmpf ole, %select_n3A_510, %select_n3A_511 : vector<16xf32>
        %min3A_611 = arith.minimumf %select_n3A_510, %select_n3A_511 : vector<16xf32>
        %sub3A_612 = arith.subf %min3A_611, %min3A_491 : vector<16xf32>
        %mul3A_613 = arith.mulf %sub3A_612, %add3A_509 : vector<16xf32>
        %mul3A_614 = arith.mulf %mul3A_613, %add3A_509 : vector<16xf32>
        %add3A_615 = arith.addf %add3A_495, %mul3A_614 : vector<16xf32>
        %add3A_616 = arith.constant 64 : i32
        %add3A_617 = vector.broadcast %add3A_616 : i32 to vector<16xi32>
        %add3A_618 = arith.addi %select_n3A_499, %add3A_617 : vector<16xi32>
        %select_n3A_619 = arith.select %le3A_610, %add3A_618, %select_n3A_499 : vector<16xi1>, vector<16xi32>
        %add3A_620 = arith.constant 64 : i32
        %add3A_621 = vector.broadcast %add3A_620 : i32 to vector<16xi32>
        %add3A_622 = arith.addi %select_n3A_503, %add3A_621 : vector<16xi32>
        %select_n3A_623 = arith.select %le3A_610, %select_n3A_503, %add3A_622 : vector<16xi1>, vector<16xi32>
        %neg3A_624 = arith.constant 0.000000e+00 : f32
        %neg3A_625 = arith.subf %neg3A_624, %scan3A_225 : f32
        %broadcast_in_dim3A_626 = vector.broadcast %scan3A_225 : f32 to vector<16xf32>
        %broadcast_in_dim3A_627 = vector.broadcast %neg3A_625 : f32 to vector<16xf32>
        %select_n3A_628 = arith.select %le3A_610, %broadcast_in_dim3A_626, %broadcast_in_dim3A_627 : vector<16xi1>, vector<16xf32>
        %add3A_629 = arith.addf %add3A_509, %select_n3A_628 : vector<16xf32>
        %select_n3A_630 = arith.select %le3A_610, %gather3A_605, %select_n3A_510 : vector<16xi1>, vector<16xf32>
        %select_n3A_631 = arith.select %le3A_610, %select_n3A_511, %gather3A_609 : vector<16xi1>, vector<16xf32>
        %add3A_632 = arith.constant 64 : i32
        %add3A_633 = vector.broadcast %add3A_632 : i32 to vector<16xi32>
        %add3A_634 = arith.addi %select_n3A_529, %add3A_633 : vector<16xi32>
        %gather3A_635 = tpu.vector_load_idx %arg7[%add3A_634] : memref<8320xf32, #tpu.memory_space<vmem>>[vector<16xi32>], vector<16xf32>,
        %add3A_636 = arith.constant 64 : i32
        %add3A_637 = vector.broadcast %add3A_636 : i32 to vector<16xi32>
        %add3A_638 = arith.addi %select_n3A_533, %add3A_637 : vector<16xi32>
        %gather3A_639 = tpu.vector_load_idx %arg8[%add3A_638] : memref<8320xf32, #tpu.memory_space<vmem>>[vector<16xi32>], vector<16xf32>,
        %le3A_640 = arith.cmpf ole, %select_n3A_540, %select_n3A_541 : vector<16xf32>
        %min3A_641 = arith.minimumf %select_n3A_540, %select_n3A_541 : vector<16xf32>
        %sub3A_642 = arith.subf %min3A_641, %min3A_521 : vector<16xf32>
        %mul3A_643 = arith.mulf %sub3A_642, %add3A_539 : vector<16xf32>
        %mul3A_644 = arith.mulf %mul3A_643, %add3A_539 : vector<16xf32>
        %add3A_645 = arith.addf %add3A_525, %mul3A_644 : vector<16xf32>
        %add3A_646 = arith.constant 64 : i32
        %add3A_647 = vector.broadcast %add3A_646 : i32 to vector<16xi32>
        %add3A_648 = arith.addi %select_n3A_529, %add3A_647 : vector<16xi32>
        %select_n3A_649 = arith.select %le3A_640, %add3A_648, %select_n3A_529 : vector<16xi1>, vector<16xi32>
        %add3A_650 = arith.constant 64 : i32
        %add3A_651 = vector.broadcast %add3A_650 : i32 to vector<16xi32>
        %add3A_652 = arith.addi %select_n3A_533, %add3A_651 : vector<16xi32>
        %select_n3A_653 = arith.select %le3A_640, %select_n3A_533, %add3A_652 : vector<16xi1>, vector<16xi32>
        %neg3A_654 = arith.constant 0.000000e+00 : f32
        %neg3A_655 = arith.subf %neg3A_654, %scan3A_225 : f32
        %broadcast_in_dim3A_656 = vector.broadcast %scan3A_225 : f32 to vector<16xf32>
        %broadcast_in_dim3A_657 = vector.broadcast %neg3A_655 : f32 to vector<16xf32>
        %select_n3A_658 = arith.select %le3A_640, %broadcast_in_dim3A_656, %broadcast_in_dim3A_657 : vector<16xi1>, vector<16xf32>
        %add3A_659 = arith.addf %add3A_539, %select_n3A_658 : vector<16xf32>
        %select_n3A_660 = arith.select %le3A_640, %gather3A_635, %select_n3A_540 : vector<16xi1>, vector<16xf32>
        %select_n3A_661 = arith.select %le3A_640, %select_n3A_541, %gather3A_639 : vector<16xi1>, vector<16xf32>
        %add3A_662 = arith.constant 64 : i32
        %add3A_663 = vector.broadcast %add3A_662 : i32 to vector<16xi32>
        %add3A_664 = arith.addi %select_n3A_559, %add3A_663 : vector<16xi32>
        %gather3A_665 = tpu.vector_load_idx %arg7[%add3A_664] : memref<8320xf32, #tpu.memory_space<vmem>>[vector<16xi32>], vector<16xf32>,
        %add3A_666 = arith.constant 64 : i32
        %add3A_667 = vector.broadcast %add3A_666 : i32 to vector<16xi32>
        %add3A_668 = arith.addi %select_n3A_563, %add3A_667 : vector<16xi32>
        %gather3A_669 = tpu.vector_load_idx %arg8[%add3A_668] : memref<8320xf32, #tpu.memory_space<vmem>>[vector<16xi32>], vector<16xf32>,
        %le3A_670 = arith.cmpf ole, %select_n3A_570, %select_n3A_571 : vector<16xf32>
        %min3A_671 = arith.minimumf %select_n3A_570, %select_n3A_571 : vector<16xf32>
        %sub3A_672 = arith.subf %min3A_671, %min3A_551 : vector<16xf32>
        %mul3A_673 = arith.mulf %sub3A_672, %add3A_569 : vector<16xf32>
        %mul3A_674 = arith.mulf %mul3A_673, %add3A_569 : vector<16xf32>
        %add3A_675 = arith.addf %add3A_555, %mul3A_674 : vector<16xf32>
        %add3A_676 = arith.constant 64 : i32
        %add3A_677 = vector.broadcast %add3A_676 : i32 to vector<16xi32>
        %add3A_678 = arith.addi %select_n3A_559, %add3A_677 : vector<16xi32>
        %select_n3A_679 = arith.select %le3A_670, %add3A_678, %select_n3A_559 : vector<16xi1>, vector<16xi32>
        %add3A_680 = arith.constant 64 : i32
        %add3A_681 = vector.broadcast %add3A_680 : i32 to vector<16xi32>
        %add3A_682 = arith.addi %select_n3A_563, %add3A_681 : vector<16xi32>
        %select_n3A_683 = arith.select %le3A_670, %select_n3A_563, %add3A_682 : vector<16xi1>, vector<16xi32>
        %neg3A_684 = arith.constant 0.000000e+00 : f32
        %neg3A_685 = arith.subf %neg3A_684, %scan3A_225 : f32
        %broadcast_in_dim3A_686 = vector.broadcast %scan3A_225 : f32 to vector<16xf32>
        %broadcast_in_dim3A_687 = vector.broadcast %neg3A_685 : f32 to vector<16xf32>
        %select_n3A_688 = arith.select %le3A_670, %broadcast_in_dim3A_686, %broadcast_in_dim3A_687 : vector<16xi1>, vector<16xf32>
        %add3A_689 = arith.addf %add3A_569, %select_n3A_688 : vector<16xf32>
        %select_n3A_690 = arith.select %le3A_670, %gather3A_665, %select_n3A_570 : vector<16xi1>, vector<16xf32>
        %select_n3A_691 = arith.select %le3A_670, %select_n3A_571, %gather3A_669 : vector<16xi1>, vector<16xf32>
        %add3A_692 = arith.constant 64 : i32
        %add3A_693 = vector.broadcast %add3A_692 : i32 to vector<16xi32>
        %add3A_694 = arith.addi %select_n3A_589, %add3A_693 : vector<16xi32>
        %gather3A_695 = tpu.vector_load_idx %arg7[%add3A_694] : memref<8320xf32, #tpu.memory_space<vmem>>[vector<16xi32>], vector<16xf32>,
        %add3A_696 = arith.constant 64 : i32
        %add3A_697 = vector.broadcast %add3A_696 : i32 to vector<16xi32>
        %add3A_698 = arith.addi %select_n3A_593, %add3A_697 : vector<16xi32>
        %gather3A_699 = tpu.vector_load_idx %arg8[%add3A_698] : memref<8320xf32, #tpu.memory_space<vmem>>[vector<16xi32>], vector<16xf32>,
        %le3A_700 = arith.cmpf ole, %select_n3A_600, %select_n3A_601 : vector<16xf32>
        %min3A_701 = arith.minimumf %select_n3A_600, %select_n3A_601 : vector<16xf32>
        %sub3A_702 = arith.subf %min3A_701, %min3A_581 : vector<16xf32>
        %mul3A_703 = arith.mulf %sub3A_702, %add3A_599 : vector<16xf32>
        %mul3A_704 = arith.mulf %mul3A_703, %add3A_599 : vector<16xf32>
        %add3A_705 = arith.addf %add3A_585, %mul3A_704 : vector<16xf32>
        %add3A_706 = arith.constant 64 : i32
        %add3A_707 = vector.broadcast %add3A_706 : i32 to vector<16xi32>
        %add3A_708 = arith.addi %select_n3A_589, %add3A_707 : vector<16xi32>
        %select_n3A_709 = arith.select %le3A_700, %add3A_708, %select_n3A_589 : vector<16xi1>, vector<16xi32>
        %add3A_710 = arith.constant 64 : i32
        %add3A_711 = vector.broadcast %add3A_710 : i32 to vector<16xi32>
        %add3A_712 = arith.addi %select_n3A_593, %add3A_711 : vector<16xi32>
        %select_n3A_713 = arith.select %le3A_700, %select_n3A_593, %add3A_712 : vector<16xi1>, vector<16xi32>
        %neg3A_714 = arith.constant 0.000000e+00 : f32
        %neg3A_715 = arith.subf %neg3A_714, %scan3A_225 : f32
        %broadcast_in_dim3A_716 = vector.broadcast %scan3A_225 : f32 to vector<16xf32>
        %broadcast_in_dim3A_717 = vector.broadcast %neg3A_715 : f32 to vector<16xf32>
        %select_n3A_718 = arith.select %le3A_700, %broadcast_in_dim3A_716, %broadcast_in_dim3A_717 : vector<16xi1>, vector<16xf32>
        %add3A_719 = arith.addf %add3A_599, %select_n3A_718 : vector<16xf32>
        %select_n3A_720 = arith.select %le3A_700, %gather3A_695, %select_n3A_600 : vector<16xi1>, vector<16xf32>
        %select_n3A_721 = arith.select %le3A_700, %select_n3A_601, %gather3A_699 : vector<16xi1>, vector<16xf32>
        %add3A_722 = arith.constant 64 : i32
        %add3A_723 = vector.broadcast %add3A_722 : i32 to vector<16xi32>
        %add3A_724 = arith.addi %select_n3A_619, %add3A_723 : vector<16xi32>
        %gather3A_725 = tpu.vector_load_idx %arg7[%add3A_724] : memref<8320xf32, #tpu.memory_space<vmem>>[vector<16xi32>], vector<16xf32>,
        %add3A_726 = arith.constant 64 : i32
        %add3A_727 = vector.broadcast %add3A_726 : i32 to vector<16xi32>
        %add3A_728 = arith.addi %select_n3A_623, %add3A_727 : vector<16xi32>
        %gather3A_729 = tpu.vector_load_idx %arg8[%add3A_728] : memref<8320xf32, #tpu.memory_space<vmem>>[vector<16xi32>], vector<16xf32>,
        %le3A_730 = arith.cmpf ole, %select_n3A_630, %select_n3A_631 : vector<16xf32>
        %min3A_731 = arith.minimumf %select_n3A_630, %select_n3A_631 : vector<16xf32>
        %sub3A_732 = arith.subf %min3A_731, %min3A_611 : vector<16xf32>
        %mul3A_733 = arith.mulf %sub3A_732, %add3A_629 : vector<16xf32>
        %mul3A_734 = arith.mulf %mul3A_733, %add3A_629 : vector<16xf32>
        %add3A_735 = arith.addf %add3A_615, %mul3A_734 : vector<16xf32>
        %add3A_736 = arith.constant 64 : i32
        %add3A_737 = vector.broadcast %add3A_736 : i32 to vector<16xi32>
        %add3A_738 = arith.addi %select_n3A_619, %add3A_737 : vector<16xi32>
        %select_n3A_739 = arith.select %le3A_730, %add3A_738, %select_n3A_619 : vector<16xi1>, vector<16xi32>
        %add3A_740 = arith.constant 64 : i32
        %add3A_741 = vector.broadcast %add3A_740 : i32 to vector<16xi32>
        %add3A_742 = arith.addi %select_n3A_623, %add3A_741 : vector<16xi32>
        %select_n3A_743 = arith.select %le3A_730, %select_n3A_623, %add3A_742 : vector<16xi1>, vector<16xi32>
        %neg3A_744 = arith.constant 0.000000e+00 : f32
        %neg3A_745 = arith.subf %neg3A_744, %scan3A_225 : f32
        %broadcast_in_dim3A_746 = vector.broadcast %scan3A_225 : f32 to vector<16xf32>
        %broadcast_in_dim3A_747 = vector.broadcast %neg3A_745 : f32 to vector<16xf32>
        %select_n3A_748 = arith.select %le3A_730, %broadcast_in_dim3A_746, %broadcast_in_dim3A_747 : vector<16xi1>, vector<16xf32>
        %add3A_749 = arith.addf %add3A_629, %select_n3A_748 : vector<16xf32>
        %select_n3A_750 = arith.select %le3A_730, %gather3A_725, %select_n3A_630 : vector<16xi1>, vector<16xf32>
        %select_n3A_751 = arith.select %le3A_730, %select_n3A_631, %gather3A_729 : vector<16xi1>, vector<16xf32>
        %add3A_752 = arith.constant 64 : i32
        %add3A_753 = vector.broadcast %add3A_752 : i32 to vector<16xi32>
        %add3A_754 = arith.addi %select_n3A_649, %add3A_753 : vector<16xi32>
        %gather3A_755 = tpu.vector_load_idx %arg7[%add3A_754] : memref<8320xf32, #tpu.memory_space<vmem>>[vector<16xi32>], vector<16xf32>,
        %add3A_756 = arith.constant 64 : i32
        %add3A_757 = vector.broadcast %add3A_756 : i32 to vector<16xi32>
        %add3A_758 = arith.addi %select_n3A_653, %add3A_757 : vector<16xi32>
        %gather3A_759 = tpu.vector_load_idx %arg8[%add3A_758] : memref<8320xf32, #tpu.memory_space<vmem>>[vector<16xi32>], vector<16xf32>,
        %le3A_760 = arith.cmpf ole, %select_n3A_660, %select_n3A_661 : vector<16xf32>
        %min3A_761 = arith.minimumf %select_n3A_660, %select_n3A_661 : vector<16xf32>
        %sub3A_762 = arith.subf %min3A_761, %min3A_641 : vector<16xf32>
        %mul3A_763 = arith.mulf %sub3A_762, %add3A_659 : vector<16xf32>
        %mul3A_764 = arith.mulf %mul3A_763, %add3A_659 : vector<16xf32>
        %add3A_765 = arith.addf %add3A_645, %mul3A_764 : vector<16xf32>
        %add3A_766 = arith.constant 64 : i32
        %add3A_767 = vector.broadcast %add3A_766 : i32 to vector<16xi32>
        %add3A_768 = arith.addi %select_n3A_649, %add3A_767 : vector<16xi32>
        %select_n3A_769 = arith.select %le3A_760, %add3A_768, %select_n3A_649 : vector<16xi1>, vector<16xi32>
        %add3A_770 = arith.constant 64 : i32
        %add3A_771 = vector.broadcast %add3A_770 : i32 to vector<16xi32>
        %add3A_772 = arith.addi %select_n3A_653, %add3A_771 : vector<16xi32>
        %select_n3A_773 = arith.select %le3A_760, %select_n3A_653, %add3A_772 : vector<16xi1>, vector<16xi32>
        %neg3A_774 = arith.constant 0.000000e+00 : f32
        %neg3A_775 = arith.subf %neg3A_774, %scan3A_225 : f32
        %broadcast_in_dim3A_776 = vector.broadcast %scan3A_225 : f32 to vector<16xf32>
        %broadcast_in_dim3A_777 = vector.broadcast %neg3A_775 : f32 to vector<16xf32>
        %select_n3A_778 = arith.select %le3A_760, %broadcast_in_dim3A_776, %broadcast_in_dim3A_777 : vector<16xi1>, vector<16xf32>
        %add3A_779 = arith.addf %add3A_659, %select_n3A_778 : vector<16xf32>
        %select_n3A_780 = arith.select %le3A_760, %gather3A_755, %select_n3A_660 : vector<16xi1>, vector<16xf32>
        %select_n3A_781 = arith.select %le3A_760, %select_n3A_661, %gather3A_759 : vector<16xi1>, vector<16xf32>
        %add3A_782 = arith.constant 64 : i32
        %add3A_783 = vector.broadcast %add3A_782 : i32 to vector<16xi32>
        %add3A_784 = arith.addi %select_n3A_679, %add3A_783 : vector<16xi32>
        %gather3A_785 = tpu.vector_load_idx %arg7[%add3A_784] : memref<8320xf32, #tpu.memory_space<vmem>>[vector<16xi32>], vector<16xf32>,
        %add3A_786 = arith.constant 64 : i32
        %add3A_787 = vector.broadcast %add3A_786 : i32 to vector<16xi32>
        %add3A_788 = arith.addi %select_n3A_683, %add3A_787 : vector<16xi32>
        %gather3A_789 = tpu.vector_load_idx %arg8[%add3A_788] : memref<8320xf32, #tpu.memory_space<vmem>>[vector<16xi32>], vector<16xf32>,
        %le3A_790 = arith.cmpf ole, %select_n3A_690, %select_n3A_691 : vector<16xf32>
        %min3A_791 = arith.minimumf %select_n3A_690, %select_n3A_691 : vector<16xf32>
        %sub3A_792 = arith.subf %min3A_791, %min3A_671 : vector<16xf32>
        %mul3A_793 = arith.mulf %sub3A_792, %add3A_689 : vector<16xf32>
        %mul3A_794 = arith.mulf %mul3A_793, %add3A_689 : vector<16xf32>
        %add3A_795 = arith.addf %add3A_675, %mul3A_794 : vector<16xf32>
        %add3A_796 = arith.constant 64 : i32
        %add3A_797 = vector.broadcast %add3A_796 : i32 to vector<16xi32>
        %add3A_798 = arith.addi %select_n3A_679, %add3A_797 : vector<16xi32>
        %select_n3A_799 = arith.select %le3A_790, %add3A_798, %select_n3A_679 : vector<16xi1>, vector<16xi32>
        %add3A_800 = arith.constant 64 : i32
        %add3A_801 = vector.broadcast %add3A_800 : i32 to vector<16xi32>
        %add3A_802 = arith.addi %select_n3A_683, %add3A_801 : vector<16xi32>
        %select_n3A_803 = arith.select %le3A_790, %select_n3A_683, %add3A_802 : vector<16xi1>, vector<16xi32>
        %neg3A_804 = arith.constant 0.000000e+00 : f32
        %neg3A_805 = arith.subf %neg3A_804, %scan3A_225 : f32
        %broadcast_in_dim3A_806 = vector.broadcast %scan3A_225 : f32 to vector<16xf32>
        %broadcast_in_dim3A_807 = vector.broadcast %neg3A_805 : f32 to vector<16xf32>
        %select_n3A_808 = arith.select %le3A_790, %broadcast_in_dim3A_806, %broadcast_in_dim3A_807 : vector<16xi1>, vector<16xf32>
        %add3A_809 = arith.addf %add3A_689, %select_n3A_808 : vector<16xf32>
        %select_n3A_810 = arith.select %le3A_790, %gather3A_785, %select_n3A_690 : vector<16xi1>, vector<16xf32>
        %select_n3A_811 = arith.select %le3A_790, %select_n3A_691, %gather3A_789 : vector<16xi1>, vector<16xf32>
        %add3A_812 = arith.constant 64 : i32
        %add3A_813 = vector.broadcast %add3A_812 : i32 to vector<16xi32>
        %add3A_814 = arith.addi %select_n3A_709, %add3A_813 : vector<16xi32>
        %gather3A_815 = tpu.vector_load_idx %arg7[%add3A_814] : memref<8320xf32, #tpu.memory_space<vmem>>[vector<16xi32>], vector<16xf32>,
        %add3A_816 = arith.constant 64 : i32
        %add3A_817 = vector.broadcast %add3A_816 : i32 to vector<16xi32>
        %add3A_818 = arith.addi %select_n3A_713, %add3A_817 : vector<16xi32>
        %gather3A_819 = tpu.vector_load_idx %arg8[%add3A_818] : memref<8320xf32, #tpu.memory_space<vmem>>[vector<16xi32>], vector<16xf32>,
        %le3A_820 = arith.cmpf ole, %select_n3A_720, %select_n3A_721 : vector<16xf32>
        %min3A_821 = arith.minimumf %select_n3A_720, %select_n3A_721 : vector<16xf32>
        %sub3A_822 = arith.subf %min3A_821, %min3A_701 : vector<16xf32>
        %mul3A_823 = arith.mulf %sub3A_822, %add3A_719 : vector<16xf32>
        %mul3A_824 = arith.mulf %mul3A_823, %add3A_719 : vector<16xf32>
        %add3A_825 = arith.addf %add3A_705, %mul3A_824 : vector<16xf32>
        %add3A_826 = arith.constant 64 : i32
        %add3A_827 = vector.broadcast %add3A_826 : i32 to vector<16xi32>
        %add3A_828 = arith.addi %select_n3A_709, %add3A_827 : vector<16xi32>
        %select_n3A_829 = arith.select %le3A_820, %add3A_828, %select_n3A_709 : vector<16xi1>, vector<16xi32>
        %add3A_830 = arith.constant 64 : i32
        %add3A_831 = vector.broadcast %add3A_830 : i32 to vector<16xi32>
        %add3A_832 = arith.addi %select_n3A_713, %add3A_831 : vector<16xi32>
        %select_n3A_833 = arith.select %le3A_820, %select_n3A_713, %add3A_832 : vector<16xi1>, vector<16xi32>
        %neg3A_834 = arith.constant 0.000000e+00 : f32
        %neg3A_835 = arith.subf %neg3A_834, %scan3A_225 : f32
        %broadcast_in_dim3A_836 = vector.broadcast %scan3A_225 : f32 to vector<16xf32>
        %broadcast_in_dim3A_837 = vector.broadcast %neg3A_835 : f32 to vector<16xf32>
        %select_n3A_838 = arith.select %le3A_820, %broadcast_in_dim3A_836, %broadcast_in_dim3A_837 : vector<16xi1>, vector<16xf32>
        %add3A_839 = arith.addf %add3A_719, %select_n3A_838 : vector<16xf32>
        %select_n3A_840 = arith.select %le3A_820, %gather3A_815, %select_n3A_720 : vector<16xi1>, vector<16xf32>
        %select_n3A_841 = arith.select %le3A_820, %select_n3A_721, %gather3A_819 : vector<16xi1>, vector<16xf32>
        %add3A_842 = arith.constant 64 : i32
        %add3A_843 = vector.broadcast %add3A_842 : i32 to vector<16xi32>
        %add3A_844 = arith.addi %select_n3A_739, %add3A_843 : vector<16xi32>
        %gather3A_845 = tpu.vector_load_idx %arg7[%add3A_844] : memref<8320xf32, #tpu.memory_space<vmem>>[vector<16xi32>], vector<16xf32>,
        %add3A_846 = arith.constant 64 : i32
        %add3A_847 = vector.broadcast %add3A_846 : i32 to vector<16xi32>
        %add3A_848 = arith.addi %select_n3A_743, %add3A_847 : vector<16xi32>
        %gather3A_849 = tpu.vector_load_idx %arg8[%add3A_848] : memref<8320xf32, #tpu.memory_space<vmem>>[vector<16xi32>], vector<16xf32>,
        %le3A_850 = arith.cmpf ole, %select_n3A_750, %select_n3A_751 : vector<16xf32>
        %min3A_851 = arith.minimumf %select_n3A_750, %select_n3A_751 : vector<16xf32>
        %sub3A_852 = arith.subf %min3A_851, %min3A_731 : vector<16xf32>
        %mul3A_853 = arith.mulf %sub3A_852, %add3A_749 : vector<16xf32>
        %mul3A_854 = arith.mulf %mul3A_853, %add3A_749 : vector<16xf32>
        %add3A_855 = arith.addf %add3A_735, %mul3A_854 : vector<16xf32>
        %add3A_856 = arith.constant 64 : i32
        %add3A_857 = vector.broadcast %add3A_856 : i32 to vector<16xi32>
        %add3A_858 = arith.addi %select_n3A_739, %add3A_857 : vector<16xi32>
        %select_n3A_859 = arith.select %le3A_850, %add3A_858, %select_n3A_739 : vector<16xi1>, vector<16xi32>
        %add3A_860 = arith.constant 64 : i32
        %add3A_861 = vector.broadcast %add3A_860 : i32 to vector<16xi32>
        %add3A_862 = arith.addi %select_n3A_743, %add3A_861 : vector<16xi32>
        %select_n3A_863 = arith.select %le3A_850, %select_n3A_743, %add3A_862 : vector<16xi1>, vector<16xi32>
        %neg3A_864 = arith.constant 0.000000e+00 : f32
        %neg3A_865 = arith.subf %neg3A_864, %scan3A_225 : f32
        %broadcast_in_dim3A_866 = vector.broadcast %scan3A_225 : f32 to vector<16xf32>
        %broadcast_in_dim3A_867 = vector.broadcast %neg3A_865 : f32 to vector<16xf32>
        %select_n3A_868 = arith.select %le3A_850, %broadcast_in_dim3A_866, %broadcast_in_dim3A_867 : vector<16xi1>, vector<16xf32>
        %add3A_869 = arith.addf %add3A_749, %select_n3A_868 : vector<16xf32>
        %select_n3A_870 = arith.select %le3A_850, %gather3A_845, %select_n3A_750 : vector<16xi1>, vector<16xf32>
        %select_n3A_871 = arith.select %le3A_850, %select_n3A_751, %gather3A_849 : vector<16xi1>, vector<16xf32>
        %add3A_872 = arith.constant 64 : i32
        %add3A_873 = vector.broadcast %add3A_872 : i32 to vector<16xi32>
        %add3A_874 = arith.addi %select_n3A_769, %add3A_873 : vector<16xi32>
        %gather3A_875 = tpu.vector_load_idx %arg7[%add3A_874] : memref<8320xf32, #tpu.memory_space<vmem>>[vector<16xi32>], vector<16xf32>,
        %add3A_876 = arith.constant 64 : i32
        %add3A_877 = vector.broadcast %add3A_876 : i32 to vector<16xi32>
        %add3A_878 = arith.addi %select_n3A_773, %add3A_877 : vector<16xi32>
        %gather3A_879 = tpu.vector_load_idx %arg8[%add3A_878] : memref<8320xf32, #tpu.memory_space<vmem>>[vector<16xi32>], vector<16xf32>,
        %le3A_880 = arith.cmpf ole, %select_n3A_780, %select_n3A_781 : vector<16xf32>
        %min3A_881 = arith.minimumf %select_n3A_780, %select_n3A_781 : vector<16xf32>
        %sub3A_882 = arith.subf %min3A_881, %min3A_761 : vector<16xf32>
        %mul3A_883 = arith.mulf %sub3A_882, %add3A_779 : vector<16xf32>
        %mul3A_884 = arith.mulf %mul3A_883, %add3A_779 : vector<16xf32>
        %add3A_885 = arith.addf %add3A_765, %mul3A_884 : vector<16xf32>
        %add3A_886 = arith.constant 64 : i32
        %add3A_887 = vector.broadcast %add3A_886 : i32 to vector<16xi32>
        %add3A_888 = arith.addi %select_n3A_769, %add3A_887 : vector<16xi32>
        %select_n3A_889 = arith.select %le3A_880, %add3A_888, %select_n3A_769 : vector<16xi1>, vector<16xi32>
        %add3A_890 = arith.constant 64 : i32
        %add3A_891 = vector.broadcast %add3A_890 : i32 to vector<16xi32>
        %add3A_892 = arith.addi %select_n3A_773, %add3A_891 : vector<16xi32>
        %select_n3A_893 = arith.select %le3A_880, %select_n3A_773, %add3A_892 : vector<16xi1>, vector<16xi32>
        %neg3A_894 = arith.constant 0.000000e+00 : f32
        %neg3A_895 = arith.subf %neg3A_894, %scan3A_225 : f32
        %broadcast_in_dim3A_896 = vector.broadcast %scan3A_225 : f32 to vector<16xf32>
        %broadcast_in_dim3A_897 = vector.broadcast %neg3A_895 : f32 to vector<16xf32>
        %select_n3A_898 = arith.select %le3A_880, %broadcast_in_dim3A_896, %broadcast_in_dim3A_897 : vector<16xi1>, vector<16xf32>
        %add3A_899 = arith.addf %add3A_779, %select_n3A_898 : vector<16xf32>
        %select_n3A_900 = arith.select %le3A_880, %gather3A_875, %select_n3A_780 : vector<16xi1>, vector<16xf32>
        %select_n3A_901 = arith.select %le3A_880, %select_n3A_781, %gather3A_879 : vector<16xi1>, vector<16xf32>
        %add3A_902 = arith.constant 64 : i32
        %add3A_903 = vector.broadcast %add3A_902 : i32 to vector<16xi32>
        %add3A_904 = arith.addi %select_n3A_799, %add3A_903 : vector<16xi32>
        %gather3A_905 = tpu.vector_load_idx %arg7[%add3A_904] : memref<8320xf32, #tpu.memory_space<vmem>>[vector<16xi32>], vector<16xf32>,
        %add3A_906 = arith.constant 64 : i32
        %add3A_907 = vector.broadcast %add3A_906 : i32 to vector<16xi32>
        %add3A_908 = arith.addi %select_n3A_803, %add3A_907 : vector<16xi32>
        %gather3A_909 = tpu.vector_load_idx %arg8[%add3A_908] : memref<8320xf32, #tpu.memory_space<vmem>>[vector<16xi32>], vector<16xf32>,
        %le3A_910 = arith.cmpf ole, %select_n3A_810, %select_n3A_811 : vector<16xf32>
        %min3A_911 = arith.minimumf %select_n3A_810, %select_n3A_811 : vector<16xf32>
        %sub3A_912 = arith.subf %min3A_911, %min3A_791 : vector<16xf32>
        %mul3A_913 = arith.mulf %sub3A_912, %add3A_809 : vector<16xf32>
        %mul3A_914 = arith.mulf %mul3A_913, %add3A_809 : vector<16xf32>
        %add3A_915 = arith.addf %add3A_795, %mul3A_914 : vector<16xf32>
        %add3A_916 = arith.constant 64 : i32
        %add3A_917 = vector.broadcast %add3A_916 : i32 to vector<16xi32>
        %add3A_918 = arith.addi %select_n3A_799, %add3A_917 : vector<16xi32>
        %select_n3A_919 = arith.select %le3A_910, %add3A_918, %select_n3A_799 : vector<16xi1>, vector<16xi32>
        %add3A_920 = arith.constant 64 : i32
        %add3A_921 = vector.broadcast %add3A_920 : i32 to vector<16xi32>
        %add3A_922 = arith.addi %select_n3A_803, %add3A_921 : vector<16xi32>
        %select_n3A_923 = arith.select %le3A_910, %select_n3A_803, %add3A_922 : vector<16xi1>, vector<16xi32>
        %neg3A_924 = arith.constant 0.000000e+00 : f32
        %neg3A_925 = arith.subf %neg3A_924, %scan3A_225 : f32
        %broadcast_in_dim3A_926 = vector.broadcast %scan3A_225 : f32 to vector<16xf32>
        %broadcast_in_dim3A_927 = vector.broadcast %neg3A_925 : f32 to vector<16xf32>
        %select_n3A_928 = arith.select %le3A_910, %broadcast_in_dim3A_926, %broadcast_in_dim3A_927 : vector<16xi1>, vector<16xf32>
        %add3A_929 = arith.addf %add3A_809, %select_n3A_928 : vector<16xf32>
        %select_n3A_930 = arith.select %le3A_910, %gather3A_905, %select_n3A_810 : vector<16xi1>, vector<16xf32>
        %select_n3A_931 = arith.select %le3A_910, %select_n3A_811, %gather3A_909 : vector<16xi1>, vector<16xf32>
        %add3A_932 = arith.constant 64 : i32
        %add3A_933 = vector.broadcast %add3A_932 : i32 to vector<16xi32>
        %add3A_934 = arith.addi %select_n3A_829, %add3A_933 : vector<16xi32>
        %gather3A_935 = tpu.vector_load_idx %arg7[%add3A_934] : memref<8320xf32, #tpu.memory_space<vmem>>[vector<16xi32>], vector<16xf32>,
        %add3A_936 = arith.constant 64 : i32
        %add3A_937 = vector.broadcast %add3A_936 : i32 to vector<16xi32>
        %add3A_938 = arith.addi %select_n3A_833, %add3A_937 : vector<16xi32>
        %gather3A_939 = tpu.vector_load_idx %arg8[%add3A_938] : memref<8320xf32, #tpu.memory_space<vmem>>[vector<16xi32>], vector<16xf32>,
        %le3A_940 = arith.cmpf ole, %select_n3A_840, %select_n3A_841 : vector<16xf32>
        %min3A_941 = arith.minimumf %select_n3A_840, %select_n3A_841 : vector<16xf32>
        %sub3A_942 = arith.subf %min3A_941, %min3A_821 : vector<16xf32>
        %mul3A_943 = arith.mulf %sub3A_942, %add3A_839 : vector<16xf32>
        %mul3A_944 = arith.mulf %mul3A_943, %add3A_839 : vector<16xf32>
        %add3A_945 = arith.addf %add3A_825, %mul3A_944 : vector<16xf32>
        %add3A_946 = arith.constant 64 : i32
        %add3A_947 = vector.broadcast %add3A_946 : i32 to vector<16xi32>
        %add3A_948 = arith.addi %select_n3A_829, %add3A_947 : vector<16xi32>
        %select_n3A_949 = arith.select %le3A_940, %add3A_948, %select_n3A_829 : vector<16xi1>, vector<16xi32>
        %add3A_950 = arith.constant 64 : i32
        %add3A_951 = vector.broadcast %add3A_950 : i32 to vector<16xi32>
        %add3A_952 = arith.addi %select_n3A_833, %add3A_951 : vector<16xi32>
        %select_n3A_953 = arith.select %le3A_940, %select_n3A_833, %add3A_952 : vector<16xi1>, vector<16xi32>
        %neg3A_954 = arith.constant 0.000000e+00 : f32
        %neg3A_955 = arith.subf %neg3A_954, %scan3A_225 : f32
        %broadcast_in_dim3A_956 = vector.broadcast %scan3A_225 : f32 to vector<16xf32>
        %broadcast_in_dim3A_957 = vector.broadcast %neg3A_955 : f32 to vector<16xf32>
        %select_n3A_958 = arith.select %le3A_940, %broadcast_in_dim3A_956, %broadcast_in_dim3A_957 : vector<16xi1>, vector<16xf32>
        %add3A_959 = arith.addf %add3A_839, %select_n3A_958 : vector<16xf32>
        %select_n3A_960 = arith.select %le3A_940, %gather3A_935, %select_n3A_840 : vector<16xi1>, vector<16xf32>
        %select_n3A_961 = arith.select %le3A_940, %select_n3A_841, %gather3A_939 : vector<16xi1>, vector<16xf32>
        %add3A_962 = arith.constant 64 : i32
        %add3A_963 = vector.broadcast %add3A_962 : i32 to vector<16xi32>
        %add3A_964 = arith.addi %select_n3A_859, %add3A_963 : vector<16xi32>
        %gather3A_965 = tpu.vector_load_idx %arg7[%add3A_964] : memref<8320xf32, #tpu.memory_space<vmem>>[vector<16xi32>], vector<16xf32>,
        %add3A_966 = arith.constant 64 : i32
        %add3A_967 = vector.broadcast %add3A_966 : i32 to vector<16xi32>
        %add3A_968 = arith.addi %select_n3A_863, %add3A_967 : vector<16xi32>
        %gather3A_969 = tpu.vector_load_idx %arg8[%add3A_968] : memref<8320xf32, #tpu.memory_space<vmem>>[vector<16xi32>], vector<16xf32>,
        %le3A_970 = arith.cmpf ole, %select_n3A_870, %select_n3A_871 : vector<16xf32>
        %min3A_971 = arith.minimumf %select_n3A_870, %select_n3A_871 : vector<16xf32>
        %sub3A_972 = arith.subf %min3A_971, %min3A_851 : vector<16xf32>
        %mul3A_973 = arith.mulf %sub3A_972, %add3A_869 : vector<16xf32>
        %mul3A_974 = arith.mulf %mul3A_973, %add3A_869 : vector<16xf32>
        %add3A_975 = arith.addf %add3A_855, %mul3A_974 : vector<16xf32>
        %add3A_976 = arith.constant 64 : i32
        %add3A_977 = vector.broadcast %add3A_976 : i32 to vector<16xi32>
        %add3A_978 = arith.addi %select_n3A_859, %add3A_977 : vector<16xi32>
        %select_n3A_979 = arith.select %le3A_970, %add3A_978, %select_n3A_859 : vector<16xi1>, vector<16xi32>
        %add3A_980 = arith.constant 64 : i32
        %add3A_981 = vector.broadcast %add3A_980 : i32 to vector<16xi32>
        %add3A_982 = arith.addi %select_n3A_863, %add3A_981 : vector<16xi32>
        %select_n3A_983 = arith.select %le3A_970, %select_n3A_863, %add3A_982 : vector<16xi1>, vector<16xi32>
        %neg3A_984 = arith.constant 0.000000e+00 : f32
        %neg3A_985 = arith.subf %neg3A_984, %scan3A_225 : f32
        %broadcast_in_dim3A_986 = vector.broadcast %scan3A_225 : f32 to vector<16xf32>
        %broadcast_in_dim3A_987 = vector.broadcast %neg3A_985 : f32 to vector<16xf32>
        %select_n3A_988 = arith.select %le3A_970, %broadcast_in_dim3A_986, %broadcast_in_dim3A_987 : vector<16xi1>, vector<16xf32>
        %add3A_989 = arith.addf %add3A_869, %select_n3A_988 : vector<16xf32>
        %select_n3A_990 = arith.select %le3A_970, %gather3A_965, %select_n3A_870 : vector<16xi1>, vector<16xf32>
        %select_n3A_991 = arith.select %le3A_970, %select_n3A_871, %gather3A_969 : vector<16xi1>, vector<16xf32>
        %add3A_992 = arith.constant 64 : i32
        %add3A_993 = vector.broadcast %add3A_992 : i32 to vector<16xi32>
        %add3A_994 = arith.addi %select_n3A_889, %add3A_993 : vector<16xi32>
        %gather3A_995 = tpu.vector_load_idx %arg7[%add3A_994] : memref<8320xf32, #tpu.memory_space<vmem>>[vector<16xi32>], vector<16xf32>,
        %add3A_996 = arith.constant 64 : i32
        %add3A_997 = vector.broadcast %add3A_996 : i32 to vector<16xi32>
        %add3A_998 = arith.addi %select_n3A_893, %add3A_997 : vector<16xi32>
        %gather3A_999 = tpu.vector_load_idx %arg8[%add3A_998] : memref<8320xf32, #tpu.memory_space<vmem>>[vector<16xi32>], vector<16xf32>,
        %le3A_1000 = arith.cmpf ole, %select_n3A_900, %select_n3A_901 : vector<16xf32>
        %min3A_1001 = arith.minimumf %select_n3A_900, %select_n3A_901 : vector<16xf32>
        %sub3A_1002 = arith.subf %min3A_1001, %min3A_881 : vector<16xf32>
        %mul3A_1003 = arith.mulf %sub3A_1002, %add3A_899 : vector<16xf32>
        %mul3A_1004 = arith.mulf %mul3A_1003, %add3A_899 : vector<16xf32>
        %add3A_1005 = arith.addf %add3A_885, %mul3A_1004 : vector<16xf32>
        %add3A_1006 = arith.constant 64 : i32
        %add3A_1007 = vector.broadcast %add3A_1006 : i32 to vector<16xi32>
        %add3A_1008 = arith.addi %select_n3A_889, %add3A_1007 : vector<16xi32>
        %select_n3A_1009 = arith.select %le3A_1000, %add3A_1008, %select_n3A_889 : vector<16xi1>, vector<16xi32>
        %add3A_1010 = arith.constant 64 : i32
        %add3A_1011 = vector.broadcast %add3A_1010 : i32 to vector<16xi32>
        %add3A_1012 = arith.addi %select_n3A_893, %add3A_1011 : vector<16xi32>
        %select_n3A_1013 = arith.select %le3A_1000, %select_n3A_893, %add3A_1012 : vector<16xi1>, vector<16xi32>
        %neg3A_1014 = arith.constant 0.000000e+00 : f32
        %neg3A_1015 = arith.subf %neg3A_1014, %scan3A_225 : f32
        %broadcast_in_dim3A_1016 = vector.broadcast %scan3A_225 : f32 to vector<16xf32>
        %broadcast_in_dim3A_1017 = vector.broadcast %neg3A_1015 : f32 to vector<16xf32>
        %select_n3A_1018 = arith.select %le3A_1000, %broadcast_in_dim3A_1016, %broadcast_in_dim3A_1017 : vector<16xi1>, vector<16xf32>
        %add3A_1019 = arith.addf %add3A_899, %select_n3A_1018 : vector<16xf32>
        %select_n3A_1020 = arith.select %le3A_1000, %gather3A_995, %select_n3A_900 : vector<16xi1>, vector<16xf32>
        %select_n3A_1021 = arith.select %le3A_1000, %select_n3A_901, %gather3A_999 : vector<16xi1>, vector<16xf32>
        %add3A_1022 = arith.constant 64 : i32
        %add3A_1023 = vector.broadcast %add3A_1022 : i32 to vector<16xi32>
        %add3A_1024 = arith.addi %select_n3A_919, %add3A_1023 : vector<16xi32>
        %gather3A_1025 = tpu.vector_load_idx %arg7[%add3A_1024] : memref<8320xf32, #tpu.memory_space<vmem>>[vector<16xi32>], vector<16xf32>,
        %add3A_1026 = arith.constant 64 : i32
        %add3A_1027 = vector.broadcast %add3A_1026 : i32 to vector<16xi32>
        %add3A_1028 = arith.addi %select_n3A_923, %add3A_1027 : vector<16xi32>
        %gather3A_1029 = tpu.vector_load_idx %arg8[%add3A_1028] : memref<8320xf32, #tpu.memory_space<vmem>>[vector<16xi32>], vector<16xf32>,
        %le3A_1030 = arith.cmpf ole, %select_n3A_930, %select_n3A_931 : vector<16xf32>
        %min3A_1031 = arith.minimumf %select_n3A_930, %select_n3A_931 : vector<16xf32>
        %sub3A_1032 = arith.subf %min3A_1031, %min3A_911 : vector<16xf32>
        %mul3A_1033 = arith.mulf %sub3A_1032, %add3A_929 : vector<16xf32>
        %mul3A_1034 = arith.mulf %mul3A_1033, %add3A_929 : vector<16xf32>
        %add3A_1035 = arith.addf %add3A_915, %mul3A_1034 : vector<16xf32>
        %add3A_1036 = arith.constant 64 : i32
        %add3A_1037 = vector.broadcast %add3A_1036 : i32 to vector<16xi32>
        %add3A_1038 = arith.addi %select_n3A_919, %add3A_1037 : vector<16xi32>
        %select_n3A_1039 = arith.select %le3A_1030, %add3A_1038, %select_n3A_919 : vector<16xi1>, vector<16xi32>
        %add3A_1040 = arith.constant 64 : i32
        %add3A_1041 = vector.broadcast %add3A_1040 : i32 to vector<16xi32>
        %add3A_1042 = arith.addi %select_n3A_923, %add3A_1041 : vector<16xi32>
        %select_n3A_1043 = arith.select %le3A_1030, %select_n3A_923, %add3A_1042 : vector<16xi1>, vector<16xi32>
        %neg3A_1044 = arith.constant 0.000000e+00 : f32
        %neg3A_1045 = arith.subf %neg3A_1044, %scan3A_225 : f32
        %broadcast_in_dim3A_1046 = vector.broadcast %scan3A_225 : f32 to vector<16xf32>
        %broadcast_in_dim3A_1047 = vector.broadcast %neg3A_1045 : f32 to vector<16xf32>
        %select_n3A_1048 = arith.select %le3A_1030, %broadcast_in_dim3A_1046, %broadcast_in_dim3A_1047 : vector<16xi1>, vector<16xf32>
        %add3A_1049 = arith.addf %add3A_929, %select_n3A_1048 : vector<16xf32>
        %select_n3A_1050 = arith.select %le3A_1030, %gather3A_1025, %select_n3A_930 : vector<16xi1>, vector<16xf32>
        %select_n3A_1051 = arith.select %le3A_1030, %select_n3A_931, %gather3A_1029 : vector<16xi1>, vector<16xf32>
        %add3A_1052 = arith.constant 64 : i32
        %add3A_1053 = vector.broadcast %add3A_1052 : i32 to vector<16xi32>
        %add3A_1054 = arith.addi %select_n3A_949, %add3A_1053 : vector<16xi32>
        %gather3A_1055 = tpu.vector_load_idx %arg7[%add3A_1054] : memref<8320xf32, #tpu.memory_space<vmem>>[vector<16xi32>], vector<16xf32>,
        %add3A_1056 = arith.constant 64 : i32
        %add3A_1057 = vector.broadcast %add3A_1056 : i32 to vector<16xi32>
        %add3A_1058 = arith.addi %select_n3A_953, %add3A_1057 : vector<16xi32>
        %gather3A_1059 = tpu.vector_load_idx %arg8[%add3A_1058] : memref<8320xf32, #tpu.memory_space<vmem>>[vector<16xi32>], vector<16xf32>,
        %le3A_1060 = arith.cmpf ole, %select_n3A_960, %select_n3A_961 : vector<16xf32>
        %min3A_1061 = arith.minimumf %select_n3A_960, %select_n3A_961 : vector<16xf32>
        %sub3A_1062 = arith.subf %min3A_1061, %min3A_941 : vector<16xf32>
        %mul3A_1063 = arith.mulf %sub3A_1062, %add3A_959 : vector<16xf32>
        %mul3A_1064 = arith.mulf %mul3A_1063, %add3A_959 : vector<16xf32>
        %add3A_1065 = arith.addf %add3A_945, %mul3A_1064 : vector<16xf32>
        %add3A_1066 = arith.constant 64 : i32
        %add3A_1067 = vector.broadcast %add3A_1066 : i32 to vector<16xi32>
        %add3A_1068 = arith.addi %select_n3A_949, %add3A_1067 : vector<16xi32>
        %select_n3A_1069 = arith.select %le3A_1060, %add3A_1068, %select_n3A_949 : vector<16xi1>, vector<16xi32>
        %add3A_1070 = arith.constant 64 : i32
        %add3A_1071 = vector.broadcast %add3A_1070 : i32 to vector<16xi32>
        %add3A_1072 = arith.addi %select_n3A_953, %add3A_1071 : vector<16xi32>
        %select_n3A_1073 = arith.select %le3A_1060, %select_n3A_953, %add3A_1072 : vector<16xi1>, vector<16xi32>
        %neg3A_1074 = arith.constant 0.000000e+00 : f32
        %neg3A_1075 = arith.subf %neg3A_1074, %scan3A_225 : f32
        %broadcast_in_dim3A_1076 = vector.broadcast %scan3A_225 : f32 to vector<16xf32>
        %broadcast_in_dim3A_1077 = vector.broadcast %neg3A_1075 : f32 to vector<16xf32>
        %select_n3A_1078 = arith.select %le3A_1060, %broadcast_in_dim3A_1076, %broadcast_in_dim3A_1077 : vector<16xi1>, vector<16xf32>
        %add3A_1079 = arith.addf %add3A_959, %select_n3A_1078 : vector<16xf32>
        %select_n3A_1080 = arith.select %le3A_1060, %gather3A_1055, %select_n3A_960 : vector<16xi1>, vector<16xf32>
        %select_n3A_1081 = arith.select %le3A_1060, %select_n3A_961, %gather3A_1059 : vector<16xi1>, vector<16xf32>
        %add3A_1082 = arith.constant 64 : i32
        %add3A_1083 = vector.broadcast %add3A_1082 : i32 to vector<16xi32>
        %add3A_1084 = arith.addi %select_n3A_979, %add3A_1083 : vector<16xi32>
        %gather3A_1085 = tpu.vector_load_idx %arg7[%add3A_1084] : memref<8320xf32, #tpu.memory_space<vmem>>[vector<16xi32>], vector<16xf32>,
        %add3A_1086 = arith.constant 64 : i32
        %add3A_1087 = vector.broadcast %add3A_1086 : i32 to vector<16xi32>
        %add3A_1088 = arith.addi %select_n3A_983, %add3A_1087 : vector<16xi32>
        %gather3A_1089 = tpu.vector_load_idx %arg8[%add3A_1088] : memref<8320xf32, #tpu.memory_space<vmem>>[vector<16xi32>], vector<16xf32>,
        %le3A_1090 = arith.cmpf ole, %select_n3A_990, %select_n3A_991 : vector<16xf32>
        %min3A_1091 = arith.minimumf %select_n3A_990, %select_n3A_991 : vector<16xf32>
        %sub3A_1092 = arith.subf %min3A_1091, %min3A_971 : vector<16xf32>
        %mul3A_1093 = arith.mulf %sub3A_1092, %add3A_989 : vector<16xf32>
        %mul3A_1094 = arith.mulf %mul3A_1093, %add3A_989 : vector<16xf32>
        %add3A_1095 = arith.addf %add3A_975, %mul3A_1094 : vector<16xf32>
        %add3A_1096 = arith.constant 64 : i32
        %add3A_1097 = vector.broadcast %add3A_1096 : i32 to vector<16xi32>
        %add3A_1098 = arith.addi %select_n3A_979, %add3A_1097 : vector<16xi32>
        %select_n3A_1099 = arith.select %le3A_1090, %add3A_1098, %select_n3A_979 : vector<16xi1>, vector<16xi32>
        %add3A_1100 = arith.constant 64 : i32
        %add3A_1101 = vector.broadcast %add3A_1100 : i32 to vector<16xi32>
        %add3A_1102 = arith.addi %select_n3A_983, %add3A_1101 : vector<16xi32>
        %select_n3A_1103 = arith.select %le3A_1090, %select_n3A_983, %add3A_1102 : vector<16xi1>, vector<16xi32>
        %neg3A_1104 = arith.constant 0.000000e+00 : f32
        %neg3A_1105 = arith.subf %neg3A_1104, %scan3A_225 : f32
        %broadcast_in_dim3A_1106 = vector.broadcast %scan3A_225 : f32 to vector<16xf32>
        %broadcast_in_dim3A_1107 = vector.broadcast %neg3A_1105 : f32 to vector<16xf32>
        %select_n3A_1108 = arith.select %le3A_1090, %broadcast_in_dim3A_1106, %broadcast_in_dim3A_1107 : vector<16xi1>, vector<16xf32>
        %add3A_1109 = arith.addf %add3A_989, %select_n3A_1108 : vector<16xf32>
        %select_n3A_1110 = arith.select %le3A_1090, %gather3A_1085, %select_n3A_990 : vector<16xi1>, vector<16xf32>
        %select_n3A_1111 = arith.select %le3A_1090, %select_n3A_991, %gather3A_1089 : vector<16xi1>, vector<16xf32>
        %add3A_1112 = arith.constant 64 : i32
        %add3A_1113 = vector.broadcast %add3A_1112 : i32 to vector<16xi32>
        %add3A_1114 = arith.addi %select_n3A_1009, %add3A_1113 : vector<16xi32>
        %gather3A_1115 = tpu.vector_load_idx %arg7[%add3A_1114] : memref<8320xf32, #tpu.memory_space<vmem>>[vector<16xi32>], vector<16xf32>,
        %add3A_1116 = arith.constant 64 : i32
        %add3A_1117 = vector.broadcast %add3A_1116 : i32 to vector<16xi32>
        %add3A_1118 = arith.addi %select_n3A_1013, %add3A_1117 : vector<16xi32>
        %gather3A_1119 = tpu.vector_load_idx %arg8[%add3A_1118] : memref<8320xf32, #tpu.memory_space<vmem>>[vector<16xi32>], vector<16xf32>,
        %le3A_1120 = arith.cmpf ole, %select_n3A_1020, %select_n3A_1021 : vector<16xf32>
        %min3A_1121 = arith.minimumf %select_n3A_1020, %select_n3A_1021 : vector<16xf32>
        %sub3A_1122 = arith.subf %min3A_1121, %min3A_1001 : vector<16xf32>
        %mul3A_1123 = arith.mulf %sub3A_1122, %add3A_1019 : vector<16xf32>
        %mul3A_1124 = arith.mulf %mul3A_1123, %add3A_1019 : vector<16xf32>
        %add3A_1125 = arith.addf %add3A_1005, %mul3A_1124 : vector<16xf32>
        %add3A_1126 = arith.constant 64 : i32
        %add3A_1127 = vector.broadcast %add3A_1126 : i32 to vector<16xi32>
        %add3A_1128 = arith.addi %select_n3A_1009, %add3A_1127 : vector<16xi32>
        %select_n3A_1129 = arith.select %le3A_1120, %add3A_1128, %select_n3A_1009 : vector<16xi1>, vector<16xi32>
        %add3A_1130 = arith.constant 64 : i32
        %add3A_1131 = vector.broadcast %add3A_1130 : i32 to vector<16xi32>
        %add3A_1132 = arith.addi %select_n3A_1013, %add3A_1131 : vector<16xi32>
        %select_n3A_1133 = arith.select %le3A_1120, %select_n3A_1013, %add3A_1132 : vector<16xi1>, vector<16xi32>
        %neg3A_1134 = arith.constant 0.000000e+00 : f32
        %neg3A_1135 = arith.subf %neg3A_1134, %scan3A_225 : f32
        %broadcast_in_dim3A_1136 = vector.broadcast %scan3A_225 : f32 to vector<16xf32>
        %broadcast_in_dim3A_1137 = vector.broadcast %neg3A_1135 : f32 to vector<16xf32>
        %select_n3A_1138 = arith.select %le3A_1120, %broadcast_in_dim3A_1136, %broadcast_in_dim3A_1137 : vector<16xi1>, vector<16xf32>
        %add3A_1139 = arith.addf %add3A_1019, %select_n3A_1138 : vector<16xf32>
        %select_n3A_1140 = arith.select %le3A_1120, %gather3A_1115, %select_n3A_1020 : vector<16xi1>, vector<16xf32>
        %select_n3A_1141 = arith.select %le3A_1120, %select_n3A_1021, %gather3A_1119 : vector<16xi1>, vector<16xf32>
        %add3A_1142 = arith.constant 64 : i32
        %add3A_1143 = vector.broadcast %add3A_1142 : i32 to vector<16xi32>
        %add3A_1144 = arith.addi %select_n3A_1039, %add3A_1143 : vector<16xi32>
        %gather3A_1145 = tpu.vector_load_idx %arg7[%add3A_1144] : memref<8320xf32, #tpu.memory_space<vmem>>[vector<16xi32>], vector<16xf32>,
        %add3A_1146 = arith.constant 64 : i32
        %add3A_1147 = vector.broadcast %add3A_1146 : i32 to vector<16xi32>
        %add3A_1148 = arith.addi %select_n3A_1043, %add3A_1147 : vector<16xi32>
        %gather3A_1149 = tpu.vector_load_idx %arg8[%add3A_1148] : memref<8320xf32, #tpu.memory_space<vmem>>[vector<16xi32>], vector<16xf32>,
        %le3A_1150 = arith.cmpf ole, %select_n3A_1050, %select_n3A_1051 : vector<16xf32>
        %min3A_1151 = arith.minimumf %select_n3A_1050, %select_n3A_1051 : vector<16xf32>
        %sub3A_1152 = arith.subf %min3A_1151, %min3A_1031 : vector<16xf32>
        %mul3A_1153 = arith.mulf %sub3A_1152, %add3A_1049 : vector<16xf32>
        %mul3A_1154 = arith.mulf %mul3A_1153, %add3A_1049 : vector<16xf32>
        %add3A_1155 = arith.addf %add3A_1035, %mul3A_1154 : vector<16xf32>
        %add3A_1156 = arith.constant 64 : i32
        %add3A_1157 = vector.broadcast %add3A_1156 : i32 to vector<16xi32>
        %add3A_1158 = arith.addi %select_n3A_1039, %add3A_1157 : vector<16xi32>
        %select_n3A_1159 = arith.select %le3A_1150, %add3A_1158, %select_n3A_1039 : vector<16xi1>, vector<16xi32>
        %add3A_1160 = arith.constant 64 : i32
        %add3A_1161 = vector.broadcast %add3A_1160 : i32 to vector<16xi32>
        %add3A_1162 = arith.addi %select_n3A_1043, %add3A_1161 : vector<16xi32>
        %select_n3A_1163 = arith.select %le3A_1150, %select_n3A_1043, %add3A_1162 : vector<16xi1>, vector<16xi32>
        %neg3A_1164 = arith.constant 0.000000e+00 : f32
        %neg3A_1165 = arith.subf %neg3A_1164, %scan3A_225 : f32
        %broadcast_in_dim3A_1166 = vector.broadcast %scan3A_225 : f32 to vector<16xf32>
        %broadcast_in_dim3A_1167 = vector.broadcast %neg3A_1165 : f32 to vector<16xf32>
        %select_n3A_1168 = arith.select %le3A_1150, %broadcast_in_dim3A_1166, %broadcast_in_dim3A_1167 : vector<16xi1>, vector<16xf32>
        %add3A_1169 = arith.addf %add3A_1049, %select_n3A_1168 : vector<16xf32>
        %select_n3A_1170 = arith.select %le3A_1150, %gather3A_1145, %select_n3A_1050 : vector<16xi1>, vector<16xf32>
        %select_n3A_1171 = arith.select %le3A_1150, %select_n3A_1051, %gather3A_1149 : vector<16xi1>, vector<16xf32>
        %add3A_1172 = arith.constant 64 : i32
        %add3A_1173 = vector.broadcast %add3A_1172 : i32 to vector<16xi32>
        %add3A_1174 = arith.addi %select_n3A_1069, %add3A_1173 : vector<16xi32>
        %gather3A_1175 = tpu.vector_load_idx %arg7[%add3A_1174] : memref<8320xf32, #tpu.memory_space<vmem>>[vector<16xi32>], vector<16xf32>,
        %add3A_1176 = arith.constant 64 : i32
        %add3A_1177 = vector.broadcast %add3A_1176 : i32 to vector<16xi32>
        %add3A_1178 = arith.addi %select_n3A_1073, %add3A_1177 : vector<16xi32>
        %gather3A_1179 = tpu.vector_load_idx %arg8[%add3A_1178] : memref<8320xf32, #tpu.memory_space<vmem>>[vector<16xi32>], vector<16xf32>,
        %le3A_1180 = arith.cmpf ole, %select_n3A_1080, %select_n3A_1081 : vector<16xf32>
        %min3A_1181 = arith.minimumf %select_n3A_1080, %select_n3A_1081 : vector<16xf32>
        %sub3A_1182 = arith.subf %min3A_1181, %min3A_1061 : vector<16xf32>
        %mul3A_1183 = arith.mulf %sub3A_1182, %add3A_1079 : vector<16xf32>
        %mul3A_1184 = arith.mulf %mul3A_1183, %add3A_1079 : vector<16xf32>
        %add3A_1185 = arith.addf %add3A_1065, %mul3A_1184 : vector<16xf32>
        %add3A_1186 = arith.constant 64 : i32
        %add3A_1187 = vector.broadcast %add3A_1186 : i32 to vector<16xi32>
        %add3A_1188 = arith.addi %select_n3A_1069, %add3A_1187 : vector<16xi32>
        %select_n3A_1189 = arith.select %le3A_1180, %add3A_1188, %select_n3A_1069 : vector<16xi1>, vector<16xi32>
        %add3A_1190 = arith.constant 64 : i32
        %add3A_1191 = vector.broadcast %add3A_1190 : i32 to vector<16xi32>
        %add3A_1192 = arith.addi %select_n3A_1073, %add3A_1191 : vector<16xi32>
        %select_n3A_1193 = arith.select %le3A_1180, %select_n3A_1073, %add3A_1192 : vector<16xi1>, vector<16xi32>
        %neg3A_1194 = arith.constant 0.000000e+00 : f32
        %neg3A_1195 = arith.subf %neg3A_1194, %scan3A_225 : f32
        %broadcast_in_dim3A_1196 = vector.broadcast %scan3A_225 : f32 to vector<16xf32>
        %broadcast_in_dim3A_1197 = vector.broadcast %neg3A_1195 : f32 to vector<16xf32>
        %select_n3A_1198 = arith.select %le3A_1180, %broadcast_in_dim3A_1196, %broadcast_in_dim3A_1197 : vector<16xi1>, vector<16xf32>
        %add3A_1199 = arith.addf %add3A_1079, %select_n3A_1198 : vector<16xf32>
        %select_n3A_1200 = arith.select %le3A_1180, %gather3A_1175, %select_n3A_1080 : vector<16xi1>, vector<16xf32>
        %select_n3A_1201 = arith.select %le3A_1180, %select_n3A_1081, %gather3A_1179 : vector<16xi1>, vector<16xf32>
        %add3A_1202 = arith.constant 64 : i32
        %add3A_1203 = vector.broadcast %add3A_1202 : i32 to vector<16xi32>
        %add3A_1204 = arith.addi %select_n3A_1099, %add3A_1203 : vector<16xi32>
        %gather3A_1205 = tpu.vector_load_idx %arg7[%add3A_1204] : memref<8320xf32, #tpu.memory_space<vmem>>[vector<16xi32>], vector<16xf32>,
        %add3A_1206 = arith.constant 64 : i32
        %add3A_1207 = vector.broadcast %add3A_1206 : i32 to vector<16xi32>
        %add3A_1208 = arith.addi %select_n3A_1103, %add3A_1207 : vector<16xi32>
        %gather3A_1209 = tpu.vector_load_idx %arg8[%add3A_1208] : memref<8320xf32, #tpu.memory_space<vmem>>[vector<16xi32>], vector<16xf32>,
        %le3A_1210 = arith.cmpf ole, %select_n3A_1110, %select_n3A_1111 : vector<16xf32>
        %min3A_1211 = arith.minimumf %select_n3A_1110, %select_n3A_1111 : vector<16xf32>
        %sub3A_1212 = arith.subf %min3A_1211, %min3A_1091 : vector<16xf32>
        %mul3A_1213 = arith.mulf %sub3A_1212, %add3A_1109 : vector<16xf32>
        %mul3A_1214 = arith.mulf %mul3A_1213, %add3A_1109 : vector<16xf32>
        %add3A_1215 = arith.addf %add3A_1095, %mul3A_1214 : vector<16xf32>
        %add3A_1216 = arith.constant 64 : i32
        %add3A_1217 = vector.broadcast %add3A_1216 : i32 to vector<16xi32>
        %add3A_1218 = arith.addi %select_n3A_1099, %add3A_1217 : vector<16xi32>
        %select_n3A_1219 = arith.select %le3A_1210, %add3A_1218, %select_n3A_1099 : vector<16xi1>, vector<16xi32>
        %add3A_1220 = arith.constant 64 : i32
        %add3A_1221 = vector.broadcast %add3A_1220 : i32 to vector<16xi32>
        %add3A_1222 = arith.addi %select_n3A_1103, %add3A_1221 : vector<16xi32>
        %select_n3A_1223 = arith.select %le3A_1210, %select_n3A_1103, %add3A_1222 : vector<16xi1>, vector<16xi32>
        %neg3A_1224 = arith.constant 0.000000e+00 : f32
        %neg3A_1225 = arith.subf %neg3A_1224, %scan3A_225 : f32
        %broadcast_in_dim3A_1226 = vector.broadcast %scan3A_225 : f32 to vector<16xf32>
        %broadcast_in_dim3A_1227 = vector.broadcast %neg3A_1225 : f32 to vector<16xf32>
        %select_n3A_1228 = arith.select %le3A_1210, %broadcast_in_dim3A_1226, %broadcast_in_dim3A_1227 : vector<16xi1>, vector<16xf32>
        %add3A_1229 = arith.addf %add3A_1109, %select_n3A_1228 : vector<16xf32>
        %select_n3A_1230 = arith.select %le3A_1210, %gather3A_1205, %select_n3A_1110 : vector<16xi1>, vector<16xf32>
        %select_n3A_1231 = arith.select %le3A_1210, %select_n3A_1111, %gather3A_1209 : vector<16xi1>, vector<16xf32>
        %add3A_1232 = arith.constant 64 : i32
        %add3A_1233 = vector.broadcast %add3A_1232 : i32 to vector<16xi32>
        %add3A_1234 = arith.addi %select_n3A_1129, %add3A_1233 : vector<16xi32>
        %gather3A_1235 = tpu.vector_load_idx %arg7[%add3A_1234] : memref<8320xf32, #tpu.memory_space<vmem>>[vector<16xi32>], vector<16xf32>,
        %add3A_1236 = arith.constant 64 : i32
        %add3A_1237 = vector.broadcast %add3A_1236 : i32 to vector<16xi32>
        %add3A_1238 = arith.addi %select_n3A_1133, %add3A_1237 : vector<16xi32>
        %gather3A_1239 = tpu.vector_load_idx %arg8[%add3A_1238] : memref<8320xf32, #tpu.memory_space<vmem>>[vector<16xi32>], vector<16xf32>,
        %le3A_1240 = arith.cmpf ole, %select_n3A_1140, %select_n3A_1141 : vector<16xf32>
        %min3A_1241 = arith.minimumf %select_n3A_1140, %select_n3A_1141 : vector<16xf32>
        %sub3A_1242 = arith.subf %min3A_1241, %min3A_1121 : vector<16xf32>
        %mul3A_1243 = arith.mulf %sub3A_1242, %add3A_1139 : vector<16xf32>
        %mul3A_1244 = arith.mulf %mul3A_1243, %add3A_1139 : vector<16xf32>
        %add3A_1245 = arith.addf %add3A_1125, %mul3A_1244 : vector<16xf32>
        %add3A_1246 = arith.constant 64 : i32
        %add3A_1247 = vector.broadcast %add3A_1246 : i32 to vector<16xi32>
        %add3A_1248 = arith.addi %select_n3A_1129, %add3A_1247 : vector<16xi32>
        %select_n3A_1249 = arith.select %le3A_1240, %add3A_1248, %select_n3A_1129 : vector<16xi1>, vector<16xi32>
        %add3A_1250 = arith.constant 64 : i32
        %add3A_1251 = vector.broadcast %add3A_1250 : i32 to vector<16xi32>
        %add3A_1252 = arith.addi %select_n3A_1133, %add3A_1251 : vector<16xi32>
        %select_n3A_1253 = arith.select %le3A_1240, %select_n3A_1133, %add3A_1252 : vector<16xi1>, vector<16xi32>
        %neg3A_1254 = arith.constant 0.000000e+00 : f32
        %neg3A_1255 = arith.subf %neg3A_1254, %scan3A_225 : f32
        %broadcast_in_dim3A_1256 = vector.broadcast %scan3A_225 : f32 to vector<16xf32>
        %broadcast_in_dim3A_1257 = vector.broadcast %neg3A_1255 : f32 to vector<16xf32>
        %select_n3A_1258 = arith.select %le3A_1240, %broadcast_in_dim3A_1256, %broadcast_in_dim3A_1257 : vector<16xi1>, vector<16xf32>
        %add3A_1259 = arith.addf %add3A_1139, %select_n3A_1258 : vector<16xf32>
        %select_n3A_1260 = arith.select %le3A_1240, %gather3A_1235, %select_n3A_1140 : vector<16xi1>, vector<16xf32>
        %select_n3A_1261 = arith.select %le3A_1240, %select_n3A_1141, %gather3A_1239 : vector<16xi1>, vector<16xf32>
        scf.yield %select_n3A_1159, %select_n3A_1163, %select_n3A_1170, %select_n3A_1171, %add3A_1169, %min3A_1151, %add3A_1155, %select_n3A_1189, %select_n3A_1193, %select_n3A_1200, %select_n3A_1201, %add3A_1199, %min3A_1181, %add3A_1185, %select_n3A_1219, %select_n3A_1223, %select_n3A_1230, %select_n3A_1231, %add3A_1229, %min3A_1211, %add3A_1215, %select_n3A_1249, %select_n3A_1253, %select_n3A_1260, %select_n3A_1261, %add3A_1259, %min3A_1241, %add3A_1245 : vector<16xi32>, vector<16xi32>, vector<16xf32>, vector<16xf32>, vector<16xf32>, vector<16xf32>, vector<16xf32>, vector<16xi32>, vector<16xi32>, vector<16xf32>, vector<16xf32>, vector<16xf32>, vector<16xf32>, vector<16xf32>, vector<16xi32>, vector<16xi32>, vector<16xf32>, vector<16xf32>, vector<16xf32>, vector<16xf32>, vector<16xf32>, vector<16xi32>, vector<16xi32>, vector<16xf32>, vector<16xf32>, vector<16xf32>, vector<16xf32>, vector<16xf32>
      }
      %scan3A_231 = arith.constant 32 : i32
      %ne3A_232 = arith.constant 0.000000e+00 : f32
      %ne3A_233 = vector.broadcast %ne3A_232 : f32 to vector<16xf32>
      %ne3A_234 = arith.cmpf one, %scan3A_130#0, %ne3A_233 : vector<16xf32>
      %ne3A_235 = arith.constant 0.000000e+00 : f32
      %ne3A_236 = vector.broadcast %ne3A_235 : f32 to vector<16xf32>
      %ne3A_237 = arith.cmpf one, %scan3A_130#4, %ne3A_236 : vector<16xf32>
      %and3A_238 = arith.andi %ne3A_234, %ne3A_237 : vector<16xi1>
      %broadcast_in_dim3A_239 = arith.constant 0.000000e+00 : f32
      %broadcast_in_dim3A_240 = vector.broadcast %broadcast_in_dim3A_239 : f32 to vector<16xf32>
      %select_n3A_241 = arith.select %and3A_238, %scan3A_230#6, %broadcast_in_dim3A_240 : vector<16xi1>, vector<16xf32>
      %add3A_242 = arith.addf %scan3A_68, %select_n3A_241 : vector<16xf32>
      %ne3A_243 = arith.constant 0.000000e+00 : f32
      %ne3A_244 = vector.broadcast %ne3A_243 : f32 to vector<16xf32>
      %ne3A_245 = arith.cmpf one, %scan3A_130#1, %ne3A_244 : vector<16xf32>
      %ne3A_246 = arith.constant 0.000000e+00 : f32
      %ne3A_247 = vector.broadcast %ne3A_246 : f32 to vector<16xf32>
      %ne3A_248 = arith.cmpf one, %scan3A_130#5, %ne3A_247 : vector<16xf32>
      %and3A_249 = arith.andi %ne3A_245, %ne3A_248 : vector<16xi1>
      %broadcast_in_dim3A_250 = arith.constant 0.000000e+00 : f32
      %broadcast_in_dim3A_251 = vector.broadcast %broadcast_in_dim3A_250 : f32 to vector<16xf32>
      %select_n3A_252 = arith.select %and3A_249, %scan3A_230#13, %broadcast_in_dim3A_251 : vector<16xi1>, vector<16xf32>
      %add3A_253 = arith.addf %add3A_242, %select_n3A_252 : vector<16xf32>
      %ne3A_254 = arith.constant 0.000000e+00 : f32
      %ne3A_255 = vector.broadcast %ne3A_254 : f32 to vector<16xf32>
      %ne3A_256 = arith.cmpf one, %scan3A_130#2, %ne3A_255 : vector<16xf32>
      %ne3A_257 = arith.constant 0.000000e+00 : f32
      %ne3A_258 = vector.broadcast %ne3A_257 : f32 to vector<16xf32>
      %ne3A_259 = arith.cmpf one, %scan3A_130#6, %ne3A_258 : vector<16xf32>
      %and3A_260 = arith.andi %ne3A_256, %ne3A_259 : vector<16xi1>
      %broadcast_in_dim3A_261 = arith.constant 0.000000e+00 : f32
      %broadcast_in_dim3A_262 = vector.broadcast %broadcast_in_dim3A_261 : f32 to vector<16xf32>
      %select_n3A_263 = arith.select %and3A_260, %scan3A_230#20, %broadcast_in_dim3A_262 : vector<16xi1>, vector<16xf32>
      %add3A_264 = arith.addf %add3A_253, %select_n3A_263 : vector<16xf32>
      %ne3A_265 = arith.constant 0.000000e+00 : f32
      %ne3A_266 = vector.broadcast %ne3A_265 : f32 to vector<16xf32>
      %ne3A_267 = arith.cmpf one, %scan3A_130#3, %ne3A_266 : vector<16xf32>
      %ne3A_268 = arith.constant 0.000000e+00 : f32
      %ne3A_269 = vector.broadcast %ne3A_268 : f32 to vector<16xf32>
      %ne3A_270 = arith.cmpf one, %scan3A_130#7, %ne3A_269 : vector<16xf32>
      %and3A_271 = arith.andi %ne3A_267, %ne3A_270 : vector<16xi1>
      %broadcast_in_dim3A_272 = arith.constant 0.000000e+00 : f32
      %broadcast_in_dim3A_273 = vector.broadcast %broadcast_in_dim3A_272 : f32 to vector<16xf32>
      %select_n3A_274 = arith.select %and3A_271, %scan3A_230#27, %broadcast_in_dim3A_273 : vector<16xi1>, vector<16xf32>
      %add3A_275 = arith.addf %add3A_264, %select_n3A_274 : vector<16xf32>
      scf.yield %add3A_275 : vector<16xf32>
    }
    %scan3A_62 = arith.constant 16 : i32
    %mul3A_63 = arith.constant 1.00000011E-6 : f32
    %mul3A_64 = vector.broadcast %mul3A_63 : f32 to vector<16xf32>
    %mul3A_65 = arith.mulf %scan3A_61, %mul3A_64 : vector<16xf32>
    %swap3A = arith.constant 0 : index
    %swap3A_66 = tpu.vector_load %arg9[%swap3A] {strides = array<i32>} : memref<16xf32, #tpu.memory_space<vmem>>, vector<16xf32>,
    tpu.vector_store %arg9[%swap3A], %mul3A_65 {strides = array<i32>} : memref<16xf32, #tpu.memory_space<vmem>>, vector<16xf32>,
    "tpu.region"() ({
      %run_scoped3A = tpu.sem_alloc : memref<!tpu.dma_semaphore, #tpu.memory_space<semaphore_mem>>
      %dma_start3A_67 = arith.constant 0 : i32
      %dma_start3A_68 = tpu.memref_slice %arg4[%add3A, %dma_start3A_67] : memref<32x16xf32, #tpu.memory_space<hbm>> -> memref<1x16xf32, #tpu.memory_space<hbm>>
      %dma_start3A_69 = tpu.memref_squeeze %dma_start3A_68 : memref<1x16xf32, #tpu.memory_space<hbm>> -> memref<16xf32, #tpu.memory_space<hbm>>
      %dma_start3A_70 = arith.constant 0 : i32
      %dma_start3A_71 = tpu.memref_slice %arg4[%add3A, %dma_start3A_70] : memref<32x16xf32, #tpu.memory_space<hbm>> -> memref<1x16xf32, #tpu.memory_space<hbm>>
      %dma_start3A_72 = tpu.memref_squeeze %dma_start3A_71 : memref<1x16xf32, #tpu.memory_space<hbm>> -> memref<16xf32, #tpu.memory_space<hbm>>
      tpu.enqueue_dma source(%arg9 : memref<16xf32, #tpu.memory_space<vmem>>) target(%dma_start3A_72 : memref<16xf32, #tpu.memory_space<hbm>>) target_semaphore(%run_scoped3A : memref<!tpu.dma_semaphore, #tpu.memory_space<semaphore_mem>>)
      %dma_wait3A = arith.constant 0 : i32
      %dma_wait3A_73 = tpu.memref_slice %arg4[%add3A, %dma_wait3A] : memref<32x16xf32, #tpu.memory_space<hbm>> -> memref<1x16xf32, #tpu.memory_space<hbm>>
      %dma_wait3A_74 = tpu.memref_squeeze %dma_wait3A_73 : memref<1x16xf32, #tpu.memory_space<hbm>> -> memref<16xf32, #tpu.memory_space<hbm>>
      %dma_wait3A_75 = arith.constant 0 : i32
      %dma_wait3A_76 = tpu.memref_slice %arg4[%add3A, %dma_wait3A_75] : memref<32x16xf32, #tpu.memory_space<hbm>> -> memref<1x16xf32, #tpu.memory_space<hbm>>
      %dma_wait3A_77 = tpu.memref_squeeze %dma_wait3A_76 : memref<1x16xf32, #tpu.memory_space<hbm>> -> memref<16xf32, #tpu.memory_space<hbm>>
      tpu.wait_dma2 semaphore(%run_scoped3A : memref<!tpu.dma_semaphore, #tpu.memory_space<semaphore_mem>>) src(%arg9 : memref<16xf32, #tpu.memory_space<vmem>>) dst(%dma_wait3A_77 : memref<16xf32, #tpu.memory_space<hbm>>)
      tpu.yield
    }) : () -> ()
    return
  }
}

</mosaic_0001>

<sc_bundles>
// kernel: kernel.3.cloned.1.call-start
scs
__scs_entry_jumppad:
0x0: {  	(pc) =	sbr.rel $0x88, $3  }
0x1: {  	(tag) =	ssettag $0x0;
	lr =	simm.s32 $0x1  }
0x2: {  	[smem:$0x3F9F] =	sst lr;
	_ =	strace $0xD0000000  }
0x3: {  	_ = 	snop  }
0x4: {  	_ = 	snop  }
0x5: {  	_ = 	snop  }
0x6: {  	_ = 	snop  }
0x7: {  	_ = 	snop  }
__scs_overlays_trampoline_lowered:
0x8: {  	[smem:$0x3FAE] =	sst s0  }
0x9: {  	[smem:$0x3FAF] =	sst s1  }
0xa: {  	[smem:$0x3FB0] =	sst s2  }
0xb: {  	[smem:$0x3FB1] =	sst s3  }
0xc: {  	[smem:$0x3FB2] =	sst s4  }
0xd: {  	[smem:$0x3FB3] =	sst s5  }
0xe: {  	[smem:$0x3FB4] =	sst s6  }
0xf: {  	[smem:$0x3FB5] =	sst s7  }
0x10: {  	[smem:$0x3FB6] =	sst s8  }
0x11: {  	[smem:$0x3FB7] =	sst s9;
	s0 =	simm.s32 @!p0 $0x0  }
0x12: {  	s1 =	sld [smem:$0x3F9D];
	s0 =	simm.s32 @p0 $0x1  }
0x13: {  	[smem:$0x3FB8] =	sst s0;
	s0 =	simm.s32 @!p1 $0x0  }
0x14: {  	s2 =	sld [smem:$0x3F9C];
	s0 =	simm.s32 @p1 $0x1  }
0x15: {  	[smem:$0x3FB9] =	sst s0;
	s0 =	simm.s32 @!p2 $0x0  }
0x16: {  	s3 =	sld [smem:$0x3FDB];
	s0 =	simm.s32 @p2 $0x1  }
0x17: {  	s4 =	simm.s32 $0x1BF5;
	[smem:$0x3FBB] =	sst s0  }
0x18: {  	s0 =	sld [smem:$0x3F9E];
	_ =	swait.ge [sflag:s4], $0x0  }
0x19: {  	s7 =	sld [smem:$0x3F9F]  }
0x1a: {  	s8 =	sadd.s32 $0xFFFFE003, lr  }
0x1b: {  	s9 =	sadd.s32 $0xFFFFFEF7, lr;
	s5 =	simm.s32 $0xFFFFFFFF;
	p2 =	slt.u32 s8, $0xFFFFF086  }
0x1c: {  	p1 =	slt.u32 s9, $0xF7A;
	s5 =	simm.s32 @!p2 $0x0  }
0x1d: {  	s5 =	simm.s32 @p1 $0x1;
	p0 =	seq.s32 s7, s2  }
0x1e: {  	s7 =	smul.u32 @!p0 $0xF7A, s2;
	p2 =	seq.s32 @!p0 s5, $0x0  }
0x1f: {  	s9 =	smul.u32 $0xF7A, s1;
	s8 =	simm.s32 @!p0 $0x1BF5;
	p2 =	por !p2, p0  }
0x20: {  	[sflag:s8] =	ssyncset.s32 @!p0 $0xFFFFF086;
	s6 =	sadd.s32 @!p0 s3, s7;
	s7 =	simm.s32 @!p0 $0x108  }
0x21: {  	s3 =	sadd.s32 s3, s9;
	s6 =	sadd.s32 @!p0 $0x88, s6;
	s7 =	simm.s32 @p2 $0x1082  }
0x22: {  	[simem:s7], [sflag:s8] =	dma.local @!p0 [hbm:s6], $0xF7A  }
0x23: {  	s9 =	sor.u32 $0xD0000000, s2;
	s6 =	simm.s32 $0x108;
	_ =	swait.ge @!p0 [sflag:s8], $0x0  }
0x24: {  	s3 =	sadd.s32 $0x88, s3;
	s6 =	simm.s32 @!p1 $0x1082;
	[sflag:s4] =	ssyncset.s32 $0xFFFFF086  }
0x25: {  	[simem:s6], [sflag:s4] =	dma.local [hbm:s3], $0xF7A  }
0x26: {  	[smem:$0x3F9F] =	sst s1;
	(tag) =	ssettag s2;
	_ =	strace s9  }
0x27: {  	s1 =	sld [smem:$0x3FAF]  }
0x28: {  	s2 =	sld [smem:$0x3FB0]  }
0x29: {  	s4 =	sld [smem:$0x3FB2]  }
0x2a: {  	p0 =	seq.s32 s5, $0x0;
	s5 =	sld [smem:$0x3FB3]  }
0x2b: {  	s6 =	sld [smem:$0x3FB4]  }
0x2c: {  	s7 =	sld [smem:$0x3FB5]  }
0x2d: {  	s3 =	simm.s32 $0x108;
	s8 =	sld [smem:$0x3FB6]  }
0x2e: {  	s3 =	simm.s32 @!p0 $0x1082;
	s9 =	sld [smem:$0x3FB7]  }
0x2f: {  	lr =	sadd.s32 s0, s3;
	s0 =	sld [smem:$0x3FAE]  }
0x30: {  	s3 =	sld [smem:$0x3FB1]  }
0x31: {  	[smem:$0x3FBA] =	sst s10  }
0x32: {  	s10 =	sld [smem:$0x3FB8];
	_ =	sdelay $0x3  }
0x33: {  	p0 =	seq.s32 s10, $0x1;
	s10 =	sld [smem:$0x3FBA];
	_ =	sdelay $0x3  }
0x34: {  	[smem:$0x3FBA] =	sst s10  }
0x35: {  	s10 =	sld [smem:$0x3FB9];
	_ =	sdelay $0x3  }
0x36: {  	p1 =	seq.s32 s10, $0x1;
	s10 =	sld [smem:$0x3FBA];
	_ =	sdelay $0x3  }
0x37: {  	[smem:$0x3FBA] =	sst s10  }
0x38: {  	s10 =	sld [smem:$0x3FBB]  }
0x39: {  	_ = 	snop;
	(pc) =	sbr.ind lr, $3  }
0x3a: {  	_ = 	snop  }
0x3b: {  	_ = 	snop  }
0x3c: {  	p2 =	seq.s32 s10, $0x1;
	s10 =	sld [smem:$0x3FBA]  }
0x3d: {  	_ =	shalt  }
0x3e: {  	_ =	shalt  }
0x3f: {  	_ =	shalt  }
0x40: {  	_ =	shalt  }
0x41: {  	_ =	shalt  }
0x42: {  	_ =	shalt  }
0x43: {  	_ =	shalt  }
0x44: {  	_ =	shalt  }
0x45: {  	_ =	shalt  }
0x46: {  	_ =	shalt  }
0x47: {  	_ =	shalt  }
0x48: {  	_ =	shalt  }
0x49: {  	_ =	shalt  }
0x4a: {  	_ =	shalt  }
0x4b: {  	_ =	shalt  }
0x4c: {  	_ =	shalt  }
0x4d: {  	_ =	shalt  }
0x4e: {  	_ =	shalt  }
0x4f: {  	_ =	shalt  }
0x50: {  	_ =	shalt  }
0x51: {  	_ =	shalt  }
0x52: {  	_ =	shalt  }
0x53: {  	_ =	shalt  }
0x54: {  	_ =	shalt  }
0x55: {  	_ =	shalt  }
0x56: {  	_ =	shalt  }
0x57: {  	_ =	shalt  }
0x58: {  	_ =	shalt  }
0x59: {  	_ =	shalt  }
0x5a: {  	_ =	shalt  }
0x5b: {  	_ =	shalt  }
0x5c: {  	_ =	shalt  }
0x5d: {  	_ =	shalt  }
0x5e: {  	_ =	shalt  }
0x5f: {  	_ =	shalt  }
0x60: {  	_ =	shalt  }
0x61: {  	_ =	shalt  }
0x62: {  	_ =	shalt  }
0x63: {  	_ =	shalt  }
0x64: {  	_ =	shalt  }
0x65: {  	_ =	shalt  }
0x66: {  	_ =	shalt  }
0x67: {  	_ =	shalt  }
0x68: {  	_ =	shalt  }
0x69: {  	_ =	shalt  }
0x6a: {  	_ =	shalt  }
0x6b: {  	_ =	shalt  }
0x6c: {  	_ =	shalt  }
0x6d: {  	_ =	shalt  }
0x6e: {  	_ =	shalt  }
0x6f: {  	_ =	shalt  }
0x70: {  	_ =	shalt  }
0x71: {  	_ =	shalt  }
0x72: {  	_ =	shalt  }
0x73: {  	_ =	shalt  }
0x74: {  	_ =	shalt  }
0x75: {  	_ =	shalt  }
0x76: {  	_ =	shalt  }
0x77: {  	_ =	shalt  }
0x78: {  	_ =	shalt  }
0x79: {  	_ =	shalt  }
0x7a: {  	_ =	shalt  }
0x7b: {  	_ =	shalt  }
0x7c: {  	_ =	shalt  }
0x7d: {  	_ =	shalt  }
0x7e: {  	_ =	shalt  }
0x7f: {  	_ =	shalt  }
0x80: {  	_ =	shalt  }
0x81: {  	_ =	shalt  }
0x82: {  	_ =	shalt  }
0x83: {  	_ =	shalt  }
0x84: {  	_ =	shalt  }
0x85: {  	_ =	shalt  }
0x86: {  	_ =	shalt  }
0x87: {  	_ =	shalt  }
.Lfunc_end0:
.L_simem_size_0:
called_computation_lowered:
.L_overlay_start_0:
0x88: {  	s2 =	sld [smem:$0x3FD9]  }
0x89: {  	s3 =	sld [smem:$0x3FFE];
	_ =	sdelay $0x1  }
0x8a: {  	s1 =	srdreg.scid  }
0x8b: {  	s0 =	sand.u32 $0x1, s1  }
0x8c: {  	s16 =	sshll.u32 s0, $0xA;
	s2 =	sadd.s32 s3, s2  }
0x8d: {  	s2 =	sadd.s32 s2, s16  }
0x8e: {  	[smem:$0x3FC6] =	sst s2  }
0x8f: {  	_ = 	snop  }
0x90: {  	(tm) =	ssettm $0x1  }
0x91: {  	s17 =	sld [smem:$0x3FFB];
	_ =	sdelay $0x3  }
0x92: {  	_ =	strace s17  }
0x93: {  	s2 =	sld [smem:$0x3FFC];
	_ =	sdelay $0x3  }
0x94: {  	_ =	strace s2  }
0x95: {  	s2 =	sld [smem:$0x3FFD];
	_ =	sdelay $0x3  }
0x96: {  	_ =	strace s2  }
0x97: {  	_ =	strace $0x8FFFFFFF  }
0x98: {  	s18 =	sld [smem:$0x3FDB];
	_ =	sdelay $0x1  }
0x99: {  	s19 =	simm.s32 $_scs_section_size  }
0x9a: {  	s4 =	simm.s32 $_size__tile_overlayer_lowered;
	s5 =	simm.s32 $_tile_overlayer_lowered  }
0x9b: {  	s22 =	simm.s32 $0x1BFF;
	s21 =	sshll.u32 s5, $0x1;
	s2 =	sadd.s32 s19, s18  }
0x9c: {  	s6 =	simm.s32 $0x0;
	s20 =	sshll.u32 s4, $0x1;
	s4 =	sadd.s32 s21, s2  }
0x9d: {  	[timem:s6], [sflag:s22] =	dma.local [hbm:s4], s20  }
0x9e: {  	_ =	swait.ge [sflag:s22], s20  }
0x9f: {  	s3 =	ssub.s32 $0x0, s20;
	[sflag:s22] =	ssyncset.done $0x0  }
0xa0: {  	[sflag:s22] =	ssyncadd.s32 s3;
	_ =	sdelay $0x1  }
0xa1: {  	s23 =	simm.s32 $0x1B8B  }
0xa2: {  	_ =	swait.ge [sflag:s23], $0x1  }
0xa3: {  	[sflag:s23] =	ssyncset.done $0x0  }
0xa4: {  	s25 =	simm.s32 $0x1B8E;
	s24 =	sld [smem:$0x3FFE];
	[sflag:s23] =	ssyncadd.s32 $0xFFFFFFFF  }
0xa5: {  	s26 =	simm.s32 $execute0_lowered;
	[smem:$0x3FD2] =	sst s25  }
0xa6: {  	s4 =	sshll.u32 s26, $0x1;
	_ =	strace $0x80000046;
	[dreg:$0x1] =	wrdreg $0xFFFFFFFF  }
0xa7: {  	s28 =	simm.s32 $_size_execute0_lowered;
	s2 =	sadd.s32 s2, s4;
	[dreg:$0x0] =	wrdreg $0x0  }
0xa8: {  	s4 =	sshll.u32 s28, $0x1;
	[dreg:$0x2] =	wrdreg s2  }
0xa9: {  	[dreg:$0x3] =	wrdreg s4  }
0xaa: {  	[dreg:$0x4] =	wrdreg $0xC0  }
0xab: {  	_ =	task [dreg:s6], $0x5FFFF  }
0xac: {  	[dreg:$0x1] =	wrdreg $0xFFFFFFFF  }
0xad: {  	[dreg:$0x0] =	wrdreg $0x60  }
0xae: {  	[dreg:$0x2] =	wrdreg s24  }
0xaf: {  	[dreg:$0x3] =	wrdreg $0x9  }
0xb0: {  	_ =	task.clear_ibuf [dreg:s6], $0x4FFFF;
	_ =	strace $0x90000046  }
0xb1: {  	s29 =	simm.s32 $0x9;
	_ =	strace $0x80000048  }
0xb2: {  	_ =	swait.ge [sflag:s29], $0x1  }
0xb3: {  	[sflag:s29] =	ssyncadd.s32 $0xFFFFFFFF  }
0xb4: {  	_ =	strace $0x90000048  }
0xb5: {  	_ =	sfence  }
0xb6: {  	s30 =	sld [smem:$0x0];
	_ =	sdelay $0x2  }
0xb7: {  	s31 =	sshll.u32 s1, $0xD;
	s1 =	sshrl.u32 s1, $0x2  }
0xb8: {  	s3 =	sand.u32 $0x4000, s31;
	s1 =	sadd.s32 s1, s30  }
0xb9: {  	s0 =	sor.u32 s3, s0;
	s1 =	sshll.u32 s1, $0x11  }
0xba: {  	s0 =	sor.u32 s1, s0  }
0xbb: {  	s0 =	sadd.s32 $0x8F2B, s0  }
0xbc: {  	[sflag:s0] =	ssyncadd.remote.s32 $0x1  }
0xbd: {  	_ =	sfence.sel $0xFFFF  }
0xbe: {  	[dreg:$0x0] =	wrdreg $0xFFFFFFFF;
	(pc) =	sbr.abs _section_cstart, $3  }
0xbf: {  	[dreg:$0x1] =	wrdreg $0xFFFFFFFF  }
0xc0: {  	_ =	task.clear_ibuf [dreg:s6], $0x2FFFF;
	_ =	strace $0x9FFFFFFF  }
0xc1: {  	(tm) =	ssettm $0x7FFFFFFF  }
tec
execute0_lowered:
.L_overlay_start_1:
0x0: {  	(tag) =	ssettag $0x1  }
0x1: {  	s6 =	rddreg [dreg:$0x0]  }
0x2: {  	s0 =	rddreg [dreg:$0x1];
	s2 =	simm.s32 $0x0  }
0x3: {  	s3 =	srdreg.scid;
	s1 =	stileid.u32;
	s11 =	simm.s32 $0x2000  }
0x4: {  	s12 =	simm.s32 $0x8000;
	s13 =	simm.s32 $0x1;
	s14 =	simm.s32 $0x2  }
0x5: {  	s15 =	simm.s32 $0x10000;
	s16 =	simm.s32 $0x12080;
	s17 =	simm.s32 $0x14100  }
0x6: {  	s18 =	simm.s32 $0x3;
	s19 =	simm.s32 $0x0;
	[smem:$0x7FF] =	sst s2  }
0x7: {  	s7 =	sand.u32 $0x1, s3;
	s29 =	sshll.u32 s1, $0x1;
	s4 =	sshrl.u32 s1, $0x1  }
0x8: {  	s3 =	sadd.s32 $0x1000, s6;
	_ =	strace $0x80000047;
	s5 =	sor.u32 s7, s29  }
0x9: {  	s8 =	smul.u32 $0xFE000, s4;
	s4 =	sadd.s32 $0x101000, s6;
	s7 =	ssub.s32 $0x2, s7  }
0xa: {  	s9 =	sshll.u32 s5, $0xB;
	s5 =	sshll.u32 s5, $0x4;
	s31 =	sshrl.u32 s7, $0x1  }
0xb: {  	s8 =	sadd.s32 s9, s8;
	s30 =	sadd.s32 s5, s6;
	s10 =	ssub.s32 s7, s31  }
0xc: {  	s8 =	sshrl.u32 s8, $0x3;
	s9 =	smax.u32 s10, $0x1;
	s10 =	simm.s32 $0x80  }
0xd: {  	v0 =	vimm.f32 $3.000000010e+38;
	v1 =	vimm.f32 $-1.000000000e+00;
	s6 =	sadd.s32 s3, s8;
	s7 =	sadd.s32 s4, s8;
	s8 =	sadd.s32 $0x201000, s30  }
.LBB2_1:
0xe: {  	[tilespmem:s2], [sflag:$0x1] =	stream.strided.gather [hbm4b:s6+s10], $0x4000, s11, s10, $0x38;
	[tilespmem:$0x14180] =	vst v63  }
0xf: {  	s20 =	simm.s32 $0x0  }
0x10: {  	v2 =	vimm.f32 $0.0e+00;
	[tilespmem:s12], [sflag:$0x2] =	stream.strided.gather [hbm4b:s7+s10], $0x4000, s11, s10, $0x38;
	[tilespmem:$0x14180] =	vst v63  }
.LBB2_2:
0x11: {  	s21 =	smov.u32 s20  }
0x12: {  	s20 =	sadd.s32 $0x1, s20;
	p0 =	seq.s32 s21, $0xF  }
0x13: {  	s22 =	sadd.s32 @!p0 s5, s20  }
0x14: {  	_ =	swait.ge [sflag:s13], $0x4000;
	s23 =	sshrl.u32 @!p0 s22, $0x6  }
0x15: {  	[sflag:s13] =	ssyncset.done $0x0;
	s22 =	sshll.u32 @!p0 s22, $0x7;
	s24 =	sshll.u32 @!p0 s23, $0xD  }
0x16: {  	[sflag:s13] =	ssyncadd.s32 $0xFFFFC000;
	s21 =	sshll.u32 @!p0 s21, $0xE;
	s22 =	ssub.s32 @!p0 s22, s24  }
0x17: {  	s23 =	sshll.u32 @!p0 s23, $0x14;
	s24 =	sshll.u32 @!p0 s20, $0x7;
	s22 =	sand.u32 @!p0 $0xFFFFFC00, s22  }
0x18: {  	s25 =	simm.s32 @!p0 $0x80;
	s22 =	sadd.s32 @!p0 s23, s22;
	s23 =	sand.u32 @!p0 $0x380, s24  }
0x19: {  	s26 =	simm.s32 @!p0 $0x2000;
	_ =	swait.ge [sflag:s14], $0x4000;
	s22 =	sor.u32 @!p0 s23, s22  }
0x1a: {  	[sflag:s14] =	ssyncset.done $0x0;
	s23 =	sand.u32 @!p0 $0x4000, s21;
	s22 =	sshrl.u32 @!p0 s22, $0x3  }
0x1b: {  	[sflag:s14] =	ssyncadd.s32 $0xFFFFC000;
	s21 =	sxor.u32 @!p0 $0x4000, s23;
	s24 =	sadd.s32 @!p0 s3, s22  }
0x1c: {  	[tilespmem:s21], [sflag:$0x1] =	stream.strided.gather @!p0 [hbm4b:s24+s25], $0x4000, s26, s25, $0x38;
	[tilespmem:$0x14180] =	vst v63  }
0x1d: {  	s22 =	sadd.s32 @!p0 s4, s22;
	s21 =	sxor.u32 @!p0 $0xC000, s23;
	s23 =	simm.s32 @p0 $0x4000  }
0x1e: {  	v3 =	vimm.f32 $0.0e+00;
	v5 =	vimm.f32 $0.0e+00;
	[tilespmem:s21], [sflag:$0x2] =	stream.strided.gather @!p0 [hbm4b:s22+s25], $0x4000, s26, s25, $0x38;
	[tilespmem:$0x14180] =	vst v63  }
0x1f: {  	v7 =	vimm.f32 $0.0e+00;
	v8 =	vimm.f32 $0.0e+00;
	v4 =	vimm.f32 $0.0e+00;
	s24 =	simm.s32 $0x12100;
	s21 =	sadd.s32 $0x100, s23  }
0x20: {  	v6 =	vimm.f32 $0.0e+00;
	v9 =	vimm.f32 $0.0e+00;
	v10 =	vimm.f32 $0.0e+00;
	s22 =	sadd.s32 $0x8100, s23;
	s23 =	simm.s32 $0xC0;
	s25 =	simm.s32 $0x10080  }
.LBB2_3:
0x21: {  	v11 =	vld [tilespmem:s21+$0xFFFFFF00];
	_ =	sdelay $0x4  }
0x22: {  	v11 =	vmul.f32 v11, v11;
	_ =	sdelay $0x1  }
0x23: {  	v10 =	vadd.f32 v11, v10;
	_ =	sdelay $0x1  }
0x24: {  	[tilespmem:s25+$0xFFFFFF80] =	vst v10  }
0x25: {  	v11 =	vld [tilespmem:s22+$0xFFFFFF00];
	_ =	sdelay $0x4  }
0x26: {  	v11 =	vmul.f32 v11, v11;
	_ =	sdelay $0x1  }
0x27: {  	v8 =	vadd.f32 v11, v8;
	_ =	sdelay $0x1  }
0x28: {  	[tilespmem:s24+$0xFFFFFF80] =	vst v8  }
0x29: {  	v11 =	vld [tilespmem:s21+$0xFFFFFF10];
	_ =	sdelay $0x4  }
0x2a: {  	v11 =	vmul.f32 v11, v11;
	_ =	sdelay $0x1  }
0x2b: {  	v9 =	vadd.f32 v11, v9;
	_ =	sdelay $0x1  }
0x2c: {  	[tilespmem:s25+$0xFFFFFF90] =	vst v9  }
0x2d: {  	v11 =	vld [tilespmem:s22+$0xFFFFFF10];
	_ =	sdelay $0x4  }
0x2e: {  	v11 =	vmul.f32 v11, v11;
	_ =	sdelay $0x1  }
0x2f: {  	v7 =	vadd.f32 v11, v7;
	_ =	sdelay $0x1  }
0x30: {  	[tilespmem:s24+$0xFFFFFF90] =	vst v7  }
0x31: {  	v11 =	vld [tilespmem:s21+$0xFFFFFF20];
	_ =	sdelay $0x4  }
0x32: {  	v11 =	vmul.f32 v11, v11;
	_ =	sdelay $0x1  }
0x33: {  	v6 =	vadd.f32 v11, v6;
	_ =	sdelay $0x1  }
0x34: {  	[tilespmem:s25+$0xFFFFFFA0] =	vst v6  }
0x35: {  	v11 =	vld [tilespmem:s22+$0xFFFFFF20];
	_ =	sdelay $0x4  }
0x36: {  	v11 =	vmul.f32 v11, v11;
	_ =	sdelay $0x1  }
0x37: {  	v5 =	vadd.f32 v11, v5;
	_ =	sdelay $0x1  }
0x38: {  	[tilespmem:s24+$0xFFFFFFA0] =	vst v5  }
0x39: {  	v11 =	vld [tilespmem:s21+$0xFFFFFF30];
	_ =	sdelay $0x4  }
0x3a: {  	v11 =	vmul.f32 v11, v11;
	_ =	sdelay $0x1  }
0x3b: {  	v4 =	vadd.f32 v11, v4;
	_ =	sdelay $0x1  }
0x3c: {  	[tilespmem:s25+$0xFFFFFFB0] =	vst v4  }
0x3d: {  	v11 =	vld [tilespmem:s22+$0xFFFFFF30];
	_ =	sdelay $0x4  }
0x3e: {  	v11 =	vmul.f32 v11, v11;
	_ =	sdelay $0x1  }
0x3f: {  	v3 =	vadd.f32 v11, v3;
	_ =	sdelay $0x1  }
0x40: {  	[tilespmem:s24+$0xFFFFFFB0] =	vst v3  }
0x41: {  	v11 =	vld [tilespmem:s21+$0xFFFFFF80];
	_ =	sdelay $0x4  }
0x42: {  	v11 =	vmul.f32 v11, v11;
	_ =	sdelay $0x1  }
0x43: {  	v10 =	vadd.f32 v11, v10;
	_ =	sdelay $0x1  }
0x44: {  	[tilespmem:s25+$0xFFFFFFC0] =	vst v10  }
0x45: {  	v11 =	vld [tilespmem:s22+$0xFFFFFF80];
	_ =	sdelay $0x4  }
0x46: {  	v11 =	vmul.f32 v11, v11;
	_ =	sdelay $0x1  }
0x47: {  	v8 =	vadd.f32 v11, v8;
	_ =	sdelay $0x1  }
0x48: {  	[tilespmem:s24+$0xFFFFFFC0] =	vst v8  }
0x49: {  	v11 =	vld [tilespmem:s21+$0xFFFFFF90];
	_ =	sdelay $0x4  }
0x4a: {  	v11 =	vmul.f32 v11, v11;
	_ =	sdelay $0x1  }
0x4b: {  	s26 =	sadd.s32 $0xFFFFFF80, s23;
	v9 =	vadd.f32 v11, v9  }
0x4c: {  	s28 =	sor.u32 $0x50, s26  }
0x4d: {  	[tilespmem:s28+$0x10000] =	vst v9  }
0x4e: {  	v11 =	vld [tilespmem:s22+$0xFFFFFF90];
	_ =	sdelay $0x4  }
0x4f: {  	v11 =	vmul.f32 v11, v11;
	_ =	sdelay $0x1  }
0x50: {  	v7 =	vadd.f32 v11, v7;
	_ =	sdelay $0x1  }
0x51: {  	[tilespmem:s28+$0x12080] =	vst v7  }
0x52: {  	v11 =	vld [tilespmem:s21+$0xFFFFFFA0];
	_ =	sdelay $0x4  }
0x53: {  	v11 =	vmul.f32 v11, v11;
	_ =	sdelay $0x1  }
0x54: {  	v6 =	vadd.f32 v11, v6  }
0x55: {  	s31 =	sor.u32 $0x60, s26  }
0x56: {  	[tilespmem:s31+$0x10000] =	vst v6  }
0x57: {  	v11 =	vld [tilespmem:s22+$0xFFFFFFA0];
	_ =	sdelay $0x4  }
0x58: {  	v11 =	vmul.f32 v11, v11;
	_ =	sdelay $0x1  }
0x59: {  	v5 =	vadd.f32 v11, v5;
	_ =	sdelay $0x1  }
0x5a: {  	[tilespmem:s31+$0x12080] =	vst v5  }
0x5b: {  	v11 =	vld [tilespmem:s21+$0xFFFFFFB0];
	_ =	sdelay $0x4  }
0x5c: {  	v11 =	vmul.f32 v11, v11;
	_ =	sdelay $0x1  }
0x5d: {  	v4 =	vadd.f32 v11, v4  }
0x5e: {  	s26 =	sor.u32 $0x70, s26  }
0x5f: {  	[tilespmem:s26+$0x10000] =	vst v4  }
0x60: {  	v11 =	vld [tilespmem:s22+$0xFFFFFFB0];
	_ =	sdelay $0x4  }
0x61: {  	v11 =	vmul.f32 v11, v11;
	_ =	sdelay $0x1  }
0x62: {  	v3 =	vadd.f32 v11, v3;
	_ =	sdelay $0x1  }
0x63: {  	[tilespmem:s26+$0x12080] =	vst v3  }
0x64: {  	v11 =	vld [tilespmem:s21+$0x0];
	_ =	sdelay $0x4  }
0x65: {  	v11 =	vmul.f32 v11, v11;
	_ =	sdelay $0x1  }
0x66: {  	v10 =	vadd.f32 v11, v10;
	_ =	sdelay $0x1  }
0x67: {  	[tilespmem:s25+$0x0] =	vst v10  }
0x68: {  	v11 =	vld [tilespmem:s22+$0x0];
	_ =	sdelay $0x4  }
0x69: {  	v11 =	vmul.f32 v11, v11;
	_ =	sdelay $0x1  }
0x6a: {  	v8 =	vadd.f32 v11, v8;
	_ =	sdelay $0x1  }
0x6b: {  	[tilespmem:s24+$0x0] =	vst v8  }
0x6c: {  	v11 =	vld [tilespmem:s21+$0x10];
	_ =	sdelay $0x4  }
0x6d: {  	v11 =	vmul.f32 v11, v11;
	_ =	sdelay $0x1  }
0x6e: {  	v9 =	vadd.f32 v11, v9;
	_ =	sdelay $0x1  }
0x6f: {  	[tilespmem:s25+$0x10] =	vst v9  }
0x70: {  	v11 =	vld [tilespmem:s22+$0x10];
	_ =	sdelay $0x4  }
0x71: {  	v11 =	vmul.f32 v11, v11;
	_ =	sdelay $0x1  }
0x72: {  	v7 =	vadd.f32 v11, v7;
	_ =	sdelay $0x1  }
0x73: {  	[tilespmem:s24+$0x10] =	vst v7  }
0x74: {  	v11 =	vld [tilespmem:s21+$0x20];
	_ =	sdelay $0x4  }
0x75: {  	v11 =	vmul.f32 v11, v11;
	_ =	sdelay $0x1  }
0x76: {  	v6 =	vadd.f32 v11, v6;
	_ =	sdelay $0x1  }
0x77: {  	[tilespmem:s25+$0x20] =	vst v6  }
0x78: {  	v11 =	vld [tilespmem:s22+$0x20];
	_ =	sdelay $0x4  }
0x79: {  	v11 =	vmul.f32 v11, v11;
	_ =	sdelay $0x1  }
0x7a: {  	v5 =	vadd.f32 v11, v5;
	_ =	sdelay $0x1  }
0x7b: {  	[tilespmem:s24+$0x20] =	vst v5  }
0x7c: {  	v11 =	vld [tilespmem:s21+$0x30];
	_ =	sdelay $0x4  }
0x7d: {  	v11 =	vmul.f32 v11, v11;
	_ =	sdelay $0x1  }
0x7e: {  	v4 =	vadd.f32 v11, v4;
	_ =	sdelay $0x1  }
0x7f: {  	[tilespmem:s25+$0x30] =	vst v4  }
0x80: {  	v11 =	vld [tilespmem:s22+$0x30];
	_ =	sdelay $0x4  }
0x81: {  	v11 =	vmul.f32 v11, v11;
	_ =	sdelay $0x1  }
0x82: {  	v3 =	vadd.f32 v11, v3;
	_ =	sdelay $0x1  }
0x83: {  	[tilespmem:s24+$0x30] =	vst v3  }
0x84: {  	v11 =	vld [tilespmem:s21+$0x80];
	_ =	sdelay $0x4  }
0x85: {  	v11 =	vmul.f32 v11, v11;
	_ =	sdelay $0x1  }
0x86: {  	v10 =	vadd.f32 v11, v10;
	_ =	sdelay $0x1  }
0x87: {  	[tilespmem:s25+$0x40] =	vst v10  }
0x88: {  	v11 =	vld [tilespmem:s22+$0x80];
	_ =	sdelay $0x4  }
0x89: {  	v11 =	vmul.f32 v11, v11;
	_ =	sdelay $0x1  }
0x8a: {  	v8 =	vadd.f32 v11, v8;
	_ =	sdelay $0x1  }
0x8b: {  	[tilespmem:s24+$0x40] =	vst v8  }
0x8c: {  	v11 =	vld [tilespmem:s21+$0x90];
	_ =	sdelay $0x4  }
0x8d: {  	v11 =	vmul.f32 v11, v11;
	_ =	sdelay $0x1  }
0x8e: {  	v9 =	vadd.f32 v11, v9  }
0x8f: {  	s29 =	sor.u32 $0x50, s23  }
0x90: {  	[tilespmem:s29+$0x10000] =	vst v9  }
0x91: {  	v11 =	vld [tilespmem:s22+$0x90];
	_ =	sdelay $0x4  }
0x92: {  	v11 =	vmul.f32 v11, v11;
	_ =	sdelay $0x1  }
0x93: {  	v7 =	vadd.f32 v11, v7;
	_ =	sdelay $0x1  }
0x94: {  	[tilespmem:s29+$0x12080] =	vst v7  }
0x95: {  	v11 =	vld [tilespmem:s21+$0xA0];
	_ =	sdelay $0x4  }
0x96: {  	v11 =	vmul.f32 v11, v11;
	_ =	sdelay $0x1  }
0x97: {  	v6 =	vadd.f32 v11, v6  }
0x98: {  	s30 =	sor.u32 $0x60, s23  }
0x99: {  	[tilespmem:s30+$0x10000] =	vst v6  }
0x9a: {  	v11 =	vld [tilespmem:s22+$0xA0];
	_ =	sdelay $0x4  }
0x9b: {  	v11 =	vmul.f32 v11, v11;
	_ =	sdelay $0x1  }
0x9c: {  	v5 =	vadd.f32 v11, v5;
	_ =	sdelay $0x1  }
0x9d: {  	[tilespmem:s30+$0x12080] =	vst v5  }
0x9e: {  	v11 =	vld [tilespmem:s21+$0xB0];
	_ =	sdelay $0x4  }
0x9f: {  	v11 =	vmul.f32 v11, v11;
	_ =	sdelay $0x1  }
0xa0: {  	v4 =	vadd.f32 v11, v4  }
0xa1: {  	s31 =	sor.u32 $0x70, s23  }
0xa2: {  	[tilespmem:s31+$0x10000] =	vst v4  }
0xa3: {  	v11 =	vld [tilespmem:s22+$0xB0];
	_ =	sdelay $0x3  }
0xa4: {  	p0 =	sne.s32 s23, $0x1FC0  }
.Ltmp0:
0xa5: {  	v11 =	vmul.f32 v11, v11;
	(pc) =	sbr.rel @p0 .LBB2_3-.Ltmp0, $4  }
0xa6: {  	_ = 	snop  }
0xa7: {  	v3 =	vadd.f32 v11, v3  }
0xa8: {  	s23 =	sadd.s32 $0x100, s23;
	s25 =	sadd.s32 $0x100, s25  }
0xa9: {  	s24 =	sadd.s32 $0x100, s24;
	s21 =	sadd.s32 $0x200, s21;
	s22 =	sadd.s32 $0x200, s22;
	[tilespmem:s31+$0x12080] =	vst v3  }
0xaa: {  	[tilespmem:$0x11FC0] =	vst v0  }
0xab: {  	[tilespmem:$0x14040] =	vst v0  }
0xac: {  	[tilespmem:$0x12000] =	vst v0  }
0xad: {  	[tilespmem:$0x14080] =	vst v0  }
0xae: {  	[tilespmem:$0x12040] =	vst v0  }
0xaf: {  	[tilespmem:$0x140C0] =	vst v0  }
0xb0: {  	[tilespmem:$0x11FD0] =	vst v0  }
0xb1: {  	[tilespmem:$0x14050] =	vst v0  }
0xb2: {  	[tilespmem:$0x12010] =	vst v0  }
0xb3: {  	[tilespmem:$0x14090] =	vst v0  }
0xb4: {  	[tilespmem:$0x12050] =	vst v0  }
0xb5: {  	[tilespmem:$0x140D0] =	vst v0  }
0xb6: {  	[tilespmem:$0x11FE0] =	vst v0  }
0xb7: {  	[tilespmem:$0x14060] =	vst v0  }
0xb8: {  	[tilespmem:$0x12020] =	vst v0  }
0xb9: {  	[tilespmem:$0x140A0] =	vst v0  }
0xba: {  	[tilespmem:$0x12060] =	vst v0  }
0xbb: {  	[tilespmem:$0x140E0] =	vst v0  }
0xbc: {  	[tilespmem:$0x11FF0] =	vst v0  }
0xbd: {  	[tilespmem:$0x14070] =	vst v0;
	v13 =	vlaneseq.u32  }
0xbe: {  	[tilespmem:$0x12030] =	vst v0  }
0xbf: {  	[tilespmem:$0x140B0] =	vst v0;
	v18 =	vor.u32 $0x10, v13  }
0xc0: {  	[tilespmem:$0x12070] =	vst v0  }
0xc1: {  	[tilespmem:$0x140F0] =	vst v0;
	v22 =	vor.u32 $0x20, v13  }
0xc2: {  	v17 =	vld.idx.msk [tilespmem:v13+s15+$0x0], $0xffff  }
0xc3: {  	v14 =	vor.u32 $0x30, v13;
	v20 =	vld.idx.msk [tilespmem:v13+s16+$0x0], $0xffff  }
0xc4: {  	v25 =	vld.idx.msk [tilespmem:v18+s15+$0x0], $0xffff  }
0xc5: {  	v11 =	vimm.f32 $0.0e+00;
	v16 =	vimm.f32 $0.0e+00;
	v24 =	vld.idx.msk [tilespmem:v18+s16+$0x0], $0xffff  }
0xc6: {  	v19 =	vimm.f32 $0.0e+00;
	v12 =	vimm.f32 $0.0e+00;
	v27 =	vimm.f32 $0.0e+00;
	v30 =	vld.idx.msk [tilespmem:v22+s15+$0x0], $0xffff  }
0xc7: {  	v32 =	vimm.f32 $0.0e+00;
	v15 =	vimm.f32 $0.0e+00;
	v33 =	vimm.f32 $0.0e+00;
	v29 =	vld.idx.msk [tilespmem:v22+s16+$0x0], $0xffff  }
0xc8: {  	v35 =	vimm.f32 $0.0e+00;
	v21 =	vimm.f32 $0.0e+00;
	v28 =	vimm.f32 $0.0e+00;
	v23 =	vld.idx.msk [tilespmem:v14+s15+$0x0], $0xffff  }
0xc9: {  	s21 =	simm.s32 $0x20;
	v34 =	vimm.f32 $0.0e+00;
	v38 =	vlaneseq.u32;
	v31 =	vmovc v14;
	v36 =	vmovc v22;
	v37 =	vmov v18;
	v26 =	vld.idx.msk [tilespmem:v14+s16+$0x0], $0xffff  }
.LBB2_5:
0xca: {  	v39 =	vadd.s32 $0x40, v38  }
0xcb: {  	v40 =	vmin.f32 v17, v20;
	v41 =	vadd.s32 $0x40, v13;
	v43 =	vadd.s32 $0x40, v37  }
0xcc: {  	v44 =	vmin.f32 v25, v24;
	vm0 =	vle.f32 v17, v20;
	v46 =	vadd.s32 $0x40, v18  }
0xcd: {  	v51 =	vadd.s32 $0x40, v36;
	v47 =	vadd.s32 $0x40, v22;
	vm9 =	vle.f32 v25, v24  }
0xce: {  	v56 =	vadd.s32 $0x40, v31;
	v58 =	vadd.s32 $0x40, v14;
	vm10 =	vle.f32 v30, v29  }
0xcf: {  	vm11 =	vle.f32 v23, v26;
	v28 =	vsub.f32 v40, v28;
	v33 =	vsub.f32 v44, v33;
	v42 =	vld.idx.msk [tilespmem:v39+s15+$0x0], $0xffff  }
0xd0: {  	v50 =	vsel vm0, $0x3F800000, v1;
	v13 =	vsel vm0, v13, v41;
	v54 =	vsel vm9, $0x3F800000, v1;
	v45 =	vld.idx.msk [tilespmem:v41+s16+$0x0], $0xffff  }
0xd1: {  	v37 =	vsel vm9, v43, v37;
	v18 =	vsel vm9, v18, v46;
	v28 =	vmul.f32 v28, v34;
	v52 =	vld.idx.msk [tilespmem:v43+s15+$0x0], $0xffff  }
0xd2: {  	v59 =	vsel vm10, $0x3F800000, v1;
	v22 =	vsel vm10, v22, v47;
	v33 =	vmul.f32 v33, v35;
	v53 =	vld.idx.msk [tilespmem:v46+s16+$0x0], $0xffff  }
0xd3: {  	v31 =	vsel vm11, v56, v31;
	v14 =	vsel vm11, v14, v58;
	v28 =	vmul.f32 v28, v34;
	v55 =	vld.idx.msk [tilespmem:v51+s15+$0x0], $0xffff  }
0xd4: {  	v49 =	vsel vm11, $0x3F800000, v1;
	v63 =	vadd.s32 $0x40, v13;
	v33 =	vmul.f32 v33, v35;
	v57 =	vld.idx.msk [tilespmem:v47+s16+$0x0], $0xffff  }
0xd5: {  	v60 =	vld.idx.msk [tilespmem:v56+s15+$0x0], $0xffff;
	v21 =	vadd.f32 v28, v21;
	v28 =	vsel vm0, v39, v38;
	v38 =	vmin.f32 v30, v29  }
0xd6: {  	v48 =	vadd.s32 $0x40, v18;
	v34 =	vadd.f32 v50, v34;
	v62 =	vld.idx.msk [tilespmem:v58+s16+$0x0], $0xffff;
	v27 =	vsub.f32 v38, v27  }
0xd7: {  	v15 =	vadd.f32 v33, v15;
	v33 =	vadd.f32 v54, v35;
	v61 =	vadd.s32 $0x40, v28  }
0xd8: {  	v17 =	vsel vm0, v42, v17;
	v20 =	vsel vm0, v20, v45;
	v27 =	vmul.f32 v27, v32  }
0xd9: {  	v45 =	vmin.f32 v23, v26;
	v25 =	vsel vm9, v52, v25;
	v24 =	vsel vm9, v24, v53  }
0xda: {  	v30 =	vsel vm10, v55, v30;
	v29 =	vsel vm10, v29, v57;
	v23 =	vsel vm11, v60, v23  }
0xdb: {  	v26 =	vsel vm11, v26, v62;
	v57 =	vadd.s32 $0x40, v22;
	v16 =	vsub.f32 v45, v16  }
0xdc: {  	v54 =	vld.idx.msk [tilespmem:v48+s16+$0x0], $0xffff;
	v39 =	vmin.f32 v17, v20;
	v47 =	vmin.f32 v25, v24;
	vm12 =	vle.f32 v17, v20  }
0xdd: {  	vm13 =	vle.f32 v25, v24;
	vm14 =	vle.f32 v30, v29;
	vm15 =	vle.f32 v23, v26  }
0xde: {  	v27 =	vmul.f32 v27, v32;
	v32 =	vadd.f32 v59, v32;
	v40 =	vsub.f32 v39, v40  }
0xdf: {  	v44 =	vsub.f32 v47, v44;
	v52 =	vsel vm12, $0x3F800000, v1;
	v28 =	vsel vm12, v61, v28  }
0xe0: {  	v13 =	vsel vm12, v13, v63;
	v18 =	vsel vm13, v18, v48;
	v59 =	vsel vm13, $0x3F800000, v1  }
0xe1: {  	v24 =	vsel vm13, v24, v54;
	v48 =	vsel vm14, $0x3F800000, v1;
	v22 =	vsel vm14, v22, v57  }
0xe2: {  	v54 =	vsel vm15, $0x3F800000, v1;
	v16 =	vmul.f32 v16, v19;
	v50 =	vld.idx.msk [tilespmem:v61+s15+$0x0], $0xffff;
	v61 =	vadd.s32 $0x40, v31  }
0xe3: {  	v12 =	vadd.f32 v27, v12;
	v27 =	vsel vm10, v51, v36;
	v40 =	vmul.f32 v40, v34  }
0xe4: {  	v51 =	vld.idx.msk [tilespmem:v63+s16+$0x0], $0xffff;
	v44 =	vmul.f32 v44, v33;
	v63 =	vadd.s32 $0x40, v14;
	v31 =	vsel vm15, v61, v31  }
0xe5: {  	v16 =	vmul.f32 v16, v19;
	v19 =	vadd.f32 v49, v19;
	v56 =	vadd.s32 $0x40, v27  }
0xe6: {  	v14 =	vsel vm15, v14, v63;
	v40 =	vmul.f32 v40, v34;
	v34 =	vadd.f32 v52, v34  }
0xe7: {  	v62 =	vld.idx.msk [tilespmem:v57+s16+$0x0], $0xffff;
	v55 =	vmul.f32 v44, v33;
	v44 =	vmin.f32 v30, v29;
	v33 =	vadd.f32 v59, v33  }
0xe8: {  	v27 =	vsel vm14, v56, v27;
	v52 =	vadd.s32 $0x40, v13;
	v59 =	vadd.s32 $0x40, v18  }
0xe9: {  	v11 =	vadd.f32 v16, v11;
	v16 =	vadd.s32 $0x40, v37;
	v38 =	vsub.f32 v44, v38  }
0xea: {  	v21 =	vadd.f32 v40, v21;
	v17 =	vsel vm12, v50, v17;
	v40 =	vmin.f32 v23, v26  }
0xeb: {  	v15 =	vadd.f32 v55, v15;
	v58 =	vmul.f32 v38, v32;
	v45 =	vsub.f32 v40, v45  }
0xec: {  	v50 =	vadd.s32 $0x40, v28;
	v20 =	vsel vm12, v20, v51;
	v51 =	vld.idx.msk [tilespmem:v61+s15+$0x0], $0xffff;
	v29 =	vsel vm14, v29, v62  }
0xed: {  	v60 =	vld.idx.msk [tilespmem:v56+s15+$0x0], $0xffff;
	vm4 =	vle.f32 v17, v20;
	v35 =	vmul.f32 v58, v32;
	v49 =	vmul.f32 v45, v19  }
0xee: {  	v32 =	vadd.f32 v48, v32;
	v58 =	vld.idx.msk [tilespmem:v52+s16+$0x0], $0xffff;
	v28 =	vsel vm4, v50, v28;
	v13 =	vsel vm4, v13, v52  }
0xef: {  	v48 =	vadd.s32 $0x40, v27;
	v53 =	vld.idx.msk [tilespmem:v16+s15+$0x0], $0xffff;
	v16 =	vsel vm13, v16, v37;
	v12 =	vadd.f32 v35, v12  }
0xf0: {  	v35 =	vmin.f32 v17, v20;
	v37 =	vmul.f32 v49, v19;
	v19 =	vadd.f32 v54, v19  }
0xf1: {  	v55 =	vld.idx.msk [tilespmem:v50+s15+$0x0], $0xffff;
	v57 =	vadd.s32 $0x40, v16;
	v50 =	vadd.s32 $0x40, v22;
	v39 =	vsub.f32 v35, v39  }
0xf2: {  	v23 =	vsel vm15, v51, v23;
	v51 =	vadd.s32 $0x40, v31;
	v30 =	vsel vm14, v60, v30  }
0xf3: {  	v11 =	vadd.f32 v37, v11;
	v60 =	vsel vm4, $0x3F800000, v1;
	v39 =	vmul.f32 v39, v34  }
0xf4: {  	v49 =	vld.idx.msk [tilespmem:v59+s16+$0x0], $0xffff;
	v42 =	vmin.f32 v30, v29;
	v20 =	vsel vm4, v20, v58;
	vm6 =	vle.f32 v30, v29  }
0xf5: {  	v25 =	vsel vm13, v53, v25;
	v44 =	vsub.f32 v42, v44;
	v27 =	vsel vm6, v48, v27  }
0xf6: {  	v22 =	vsel vm6, v22, v50;
	v56 =	vmul.f32 v39, v34;
	v41 =	vmin.f32 v25, v24  }
0xf7: {  	v34 =	vadd.f32 v60, v34;
	v17 =	vsel vm4, v55, v17;
	vm5 =	vle.f32 v25, v24  }
0xf8: {  	v53 =	vld.idx.msk [tilespmem:v63+s16+$0x0], $0xffff;
	v47 =	vsub.f32 v41, v47;
	v16 =	vsel vm5, v57, v16;
	v52 =	vmul.f32 v44, v32  }
0xf9: {  	v18 =	vsel vm5, v18, v59;
	v54 =	vsel vm5, $0x3F800000, v1;
	v24 =	vsel vm5, v24, v49  }
0xfa: {  	v62 =	vld.idx.msk [tilespmem:v57+s15+$0x0], $0xffff;
	v57 =	vsel vm6, $0x3F800000, v1;
	v46 =	vmin.f32 v17, v20;
	vm8 =	vle.f32 v17, v20  }
0xfb: {  	v55 =	vld.idx.msk [tilespmem:v48+s15+$0x0], $0xffff;
	v21 =	vadd.f32 v56, v21;
	v35 =	vsub.f32 v46, v35;
	v49 =	vadd.s32 $0x40, v16  }
0xfc: {  	v61 =	vmul.f32 v47, v33;
	v39 =	vmul.f32 v52, v32;
	v32 =	vadd.f32 v57, v32  }
0xfd: {  	v58 =	vld.idx.msk [tilespmem:v51+s15+$0x0], $0xffff;
	v52 =	vsel vm8, $0x3F800000, v1;
	v26 =	vsel vm15, v26, v53;
	v53 =	vadd.s32 $0x40, v14  }
0xfe: {  	v35 =	vmul.f32 v35, v34;
	v63 =	vmul.f32 v61, v33;
	v47 =	vmin.f32 v23, v26  }
0xff: {  	v33 =	vadd.f32 v54, v33;
	v25 =	vsel vm5, v62, v25;
	v12 =	vadd.f32 v39, v12  }
0x100: {  	v56 =	vld.idx.msk [tilespmem:v50+s16+$0x0], $0xffff;
	v61 =	vadd.s32 $0x40, v28;
	v30 =	vsel vm6, v55, v30;
	v62 =	vadd.s32 $0x40, v13  }
0x101: {  	vm7 =	vle.f32 v23, v26;
	v54 =	vadd.s32 $0x40, v27;
	v40 =	vsub.f32 v47, v40  }
0x102: {  	v31 =	vsel vm7, v51, v31;
	v14 =	vsel vm7, v14, v53;
	v23 =	vsel vm7, v58, v23  }
0x103: {  	v35 =	vmul.f32 v35, v34;
	v39 =	vmin.f32 v25, v24;
	v51 =	vadd.s32 $0x40, v18  }
0x104: {  	v28 =	vsel vm8, v61, v28;
	v13 =	vsel vm8, v13, v62;
	v34 =	vadd.f32 v52, v34  }
0x105: {  	vm9 =	vle.f32 v25, v24;
	v15 =	vadd.f32 v63, v15;
	v29 =	vsel vm6, v29, v56  }
0x106: {  	v63 =	vsel vm7, $0x3F800000, v1;
	v41 =	vsub.f32 v39, v41;
	v56 =	vadd.s32 $0x40, v22  }
0x107: {  	v58 =	vsel vm9, $0x3F800000, v1;
	v16 =	vsel vm9, v49, v16;
	v18 =	vsel vm9, v18, v51  }
0x108: {  	v55 =	vld.idx.msk [tilespmem:v49+s15+$0x0], $0xffff;
	v52 =	vadd.s32 $0x40, v13;
	v40 =	vmul.f32 v40, v19;
	v21 =	vadd.f32 v35, v21  }
0x109: {  	v35 =	vmin.f32 v30, v29;
	vm10 =	vle.f32 v30, v29;
	v59 =	vld.idx.msk [tilespmem:v53+s16+$0x0], $0xffff;
	v53 =	vmul.f32 v41, v33  }
0x10a: {  	v42 =	vsub.f32 v35, v42;
	v27 =	vsel vm10, v54, v27;
	v22 =	vsel vm10, v22, v56;
	v48 =	vld.idx.msk [tilespmem:v61+s15+$0x0], $0xffff  }
0x10b: {  	v60 =	vmul.f32 v40, v19;
	v50 =	vld.idx.msk [tilespmem:v62+s16+$0x0], $0xffff;
	v19 =	vadd.f32 v63, v19;
	v61 =	vadd.s32 $0x40, v31  }
0x10c: {  	v63 =	vadd.s32 $0x40, v14;
	v40 =	vsel vm10, $0x3F800000, v1;
	v36 =	vmul.f32 v53, v33  }
0x10d: {  	v57 =	vld.idx.msk [tilespmem:v51+s16+$0x0], $0xffff;
	v42 =	vmul.f32 v42, v32;
	v33 =	vadd.f32 v58, v33;
	v53 =	vadd.s32 $0x40, v16  }
0x10e: {  	v11 =	vadd.f32 v60, v11;
	v25 =	vsel vm9, v55, v25;
	v55 =	vadd.s32 $0x40, v18  }
0x10f: {  	v15 =	vadd.f32 v36, v15;
	v60 =	vmul.f32 v42, v32;
	v32 =	vadd.f32 v40, v32  }
0x110: {  	v62 =	vld.idx.msk [tilespmem:v56+s16+$0x0], $0xffff;
	v26 =	vsel vm7, v26, v59;
	v17 =	vsel vm8, v48, v17;
	v20 =	vsel vm8, v20, v50  }
0x111: {  	v58 =	vld.idx.msk [tilespmem:v52+s16+$0x0], $0xffff;
	v43 =	vmin.f32 v23, v26;
	v12 =	vadd.f32 v60, v12;
	v50 =	vadd.s32 $0x40, v28  }
0x112: {  	vm11 =	vle.f32 v23, v26;
	v47 =	vsub.f32 v43, v47;
	v24 =	vsel vm9, v24, v57  }
0x113: {  	v59 =	vld.idx.msk [tilespmem:v54+s15+$0x0], $0xffff;
	v40 =	vmin.f32 v17, v20;
	v31 =	vsel vm11, v61, v31;
	v14 =	vsel vm11, v14, v63  }
0x114: {  	v51 =	vld.idx.msk [tilespmem:v63+s16+$0x0], $0xffff;
	v56 =	vsel vm11, $0x3F800000, v1;
	vm12 =	vle.f32 v17, v20;
	v63 =	vadd.s32 $0x40, v22  }
0x115: {  	v29 =	vsel vm10, v29, v62;
	v46 =	vsub.f32 v40, v46;
	v28 =	vsel vm12, v50, v28  }
0x116: {  	v48 =	vld.idx.msk [tilespmem:v61+s15+$0x0], $0xffff;
	v13 =	vsel vm12, v13, v52;
	v62 =	vadd.s32 $0x40, v27;
	v20 =	vsel vm12, v20, v58  }
0x117: {  	vm13 =	vle.f32 v25, v24;
	v52 =	vadd.s32 $0x40, v14;
	v47 =	vmul.f32 v47, v19  }
0x118: {  	v61 =	vld.idx.msk [tilespmem:v55+s16+$0x0], $0xffff;
	v16 =	vsel vm13, v53, v16;
	v18 =	vsel vm13, v18, v55;
	v55 =	vadd.s32 $0x40, v28  }
0x119: {  	v60 =	vld.idx.msk [tilespmem:v53+s15+$0x0], $0xffff;
	v30 =	vsel vm10, v59, v30;
	v54 =	vmul.f32 v46, v34;
	v59 =	vsel vm12, $0x3F800000, v1  }
0x11a: {  	v49 =	vmul.f32 v47, v19;
	v47 =	vmin.f32 v25, v24;
	v19 =	vadd.f32 v56, v19  }
0x11b: {  	v23 =	vsel vm11, v48, v23;
	v26 =	vsel vm11, v26, v51;
	v45 =	vmin.f32 v30, v29  }
0x11c: {  	v57 =	vld.idx.msk [tilespmem:v50+s15+$0x0], $0xffff;
	v48 =	vsel vm13, $0x3F800000, v1;
	v50 =	vadd.s32 $0x40, v31;
	vm14 =	vle.f32 v30, v29  }
0x11d: {  	v42 =	vmul.f32 v54, v34;
	v39 =	vsub.f32 v47, v39;
	v34 =	vadd.f32 v59, v34  }
0x11e: {  	v35 =	vsub.f32 v45, v35;
	v25 =	vsel vm13, v60, v25;
	v27 =	vsel vm14, v62, v27  }
0x11f: {  	v53 =	vsel vm14, $0x3F800000, v1;
	v22 =	vsel vm14, v22, v63;
	vm15 =	vle.f32 v23, v26  }
0x120: {  	v11 =	vadd.f32 v49, v11;
	v24 =	vsel vm13, v24, v61;
	v59 =	vsel vm15, $0x3F800000, v1  }
0x121: {  	v49 =	vld.idx.msk [tilespmem:v62+s15+$0x0], $0xffff;
	v31 =	vsel vm15, v50, v31;
	v14 =	vsel vm15, v14, v52;
	v62 =	vadd.s32 $0x40, v16  }
0x122: {  	v51 =	vld.idx.msk [tilespmem:v63+s16+$0x0], $0xffff;
	v21 =	vadd.f32 v42, v21;
	v39 =	vmul.f32 v39, v33;
	v42 =	vmin.f32 v25, v24  }
0x123: {  	v35 =	vmul.f32 v35, v32;
	vm5 =	vle.f32 v25, v24;
	v47 =	vsub.f32 v42, v47  }
0x124: {  	v58 =	vld.idx.msk [tilespmem:v52+s16+$0x0], $0xffff;
	v16 =	vsel vm5, v62, v16;
	v39 =	vmul.f32 v39, v33;
	v17 =	vsel vm12, v57, v17  }
0x125: {  	v35 =	vmul.f32 v35, v32;
	v33 =	vadd.f32 v48, v33;
	v32 =	vadd.f32 v53, v32  }
0x126: {  	v57 =	vadd.s32 $0x40, v13;
	v48 =	vadd.s32 $0x40, v18;
	v53 =	vadd.s32 $0x40, v27  }
0x127: {  	v60 =	vld.idx.msk [tilespmem:v55+s15+$0x0], $0xffff;
	v29 =	vsel vm14, v29, v51;
	vm4 =	vle.f32 v17, v20;
	v18 =	vsel vm5, v18, v48  }
0x128: {  	v15 =	vadd.f32 v39, v15;
	v39 =	vmin.f32 v23, v26;
	v12 =	vadd.f32 v35, v12  }
0x129: {  	v35 =	vmin.f32 v17, v20;
	v30 =	vsel vm14, v49, v30;
	v26 =	vsel vm15, v26, v58  }
0x12a: {  	v56 =	vld.idx.msk [tilespmem:v50+s15+$0x0], $0xffff;
	v28 =	vsel vm4, v55, v28;
	v49 =	vsel vm4, $0x3F800000, v1;
	v50 =	vmul.f32 v47, v33  }
0x12b: {  	v13 =	vsel vm4, v13, v57;
	v55 =	vadd.s32 $0x40, v22;
	v58 =	vadd.s32 $0x40, v14  }
0x12c: {  	v43 =	vsub.f32 v39, v43;
	v40 =	vsub.f32 v35, v40;
	v17 =	vsel vm4, v60, v17  }
0x12d: {  	v41 =	vmin.f32 v30, v29;
	vm6 =	vle.f32 v30, v29;
	v52 =	vmul.f32 v50, v33  }
0x12e: {  	v51 =	vld.idx.msk [tilespmem:v62+s15+$0x0], $0xffff;
	v45 =	vsub.f32 v41, v45;
	v62 =	vsel vm6, $0x3F800000, v1;
	v27 =	vsel vm6, v53, v27  }
0x12f: {  	v22 =	vsel vm6, v22, v55;
	v50 =	vadd.s32 $0x40, v13;
	v54 =	vmul.f32 v43, v19  }
0x130: {  	v40 =	vmul.f32 v40, v34;
	v23 =	vsel vm15, v56, v23;
	v63 =	vld.idx.msk [tilespmem:v57+s16+$0x0], $0xffff;
	v56 =	vadd.s32 $0x40, v31  }
0x131: {  	v60 =	vld.idx.msk [tilespmem:v53+s15+$0x0], $0xffff;
	v53 =	vadd.s32 $0x40, v16;
	v15 =	vadd.f32 v52, v15;
	v57 =	vmul.f32 v45, v32  }
0x132: {  	v47 =	vmin.f32 v23, v26;
	vm7 =	vle.f32 v23, v26;
	v36 =	vmul.f32 v54, v19  }
0x133: {  	v19 =	vadd.f32 v59, v19;
	v61 =	vmul.f32 v40, v34;
	v34 =	vadd.f32 v49, v34  }
0x134: {  	v59 =	vsel vm5, $0x3F800000, v1;
	v39 =	vsub.f32 v47, v39;
	v25 =	vsel vm5, v51, v25  }
0x135: {  	v54 =	vld.idx.msk [tilespmem:v48+s16+$0x0], $0xffff;
	v49 =	vadd.s32 $0x40, v28;
	v31 =	vsel vm7, v56, v31;
	v14 =	vsel vm7, v14, v58  }
0x136: {  	v48 =	vld.idx.msk [tilespmem:v58+s16+$0x0], $0xffff;
	v51 =	vsel vm7, $0x3F800000, v1;
	v58 =	vadd.s32 $0x40, v22;
	v33 =	vadd.f32 v59, v33  }
0x137: {  	v40 =	vmul.f32 v57, v32;
	v32 =	vadd.f32 v62, v32;
	v11 =	vadd.f32 v36, v11  }
0x138: {  	v21 =	vadd.f32 v61, v21;
	v61 =	vld.idx.msk [tilespmem:v55+s16+$0x0], $0xffff;
	v39 =	vmul.f32 v39, v19;
	v55 =	vadd.s32 $0x40, v18  }
0x139: {  	v20 =	vsel vm4, v20, v63;
	v12 =	vadd.f32 v40, v12;
	v30 =	vsel vm6, v60, v30  }
0x13a: {  	v39 =	vmul.f32 v39, v19;
	v44 =	vmin.f32 v17, v20;
	vm8 =	vle.f32 v17, v20  }
0x13b: {  	v63 =	vld.idx.msk [tilespmem:v56+s15+$0x0], $0xffff;
	v19 =	vadd.f32 v51, v19;
	v24 =	vsel vm5, v24, v54;
	v35 =	vsub.f32 v44, v35  }
0x13c: {  	v57 =	vld.idx.msk [tilespmem:v53+s15+$0x0], $0xffff;
	v26 =	vsel vm7, v26, v48;
	v13 =	vsel vm8, v13, v50;
	v11 =	vadd.f32 v39, v11  }
0x13d: {  	v52 =	vld.idx.msk [tilespmem:v49+s15+$0x0], $0xffff;
	v39 =	vmin.f32 v25, v24;
	vm9 =	vle.f32 v25, v24;
	v29 =	vsel vm6, v29, v61  }
0x13e: {  	v54 =	vld.idx.msk [tilespmem:v50+s16+$0x0], $0xffff;
	v35 =	vmul.f32 v35, v34;
	v42 =	vsub.f32 v39, v42;
	v18 =	vsel vm9, v18, v55  }
0x13f: {  	v59 =	vld.idx.msk [tilespmem:v55+s16+$0x0], $0xffff;
	v60 =	vsel vm9, $0x3F800000, v1;
	v61 =	vadd.s32 $0x40, v31;
	v55 =	vadd.s32 $0x40, v13  }
0x140: {  	v23 =	vsel vm7, v63, v23;
	v40 =	vmin.f32 v30, v29;
	v63 =	vadd.s32 $0x40, v14  }
0x141: {  	v51 =	vld.idx.msk [tilespmem:v58+s16+$0x0], $0xffff;
	v25 =	vsel vm9, v57, v25;
	vm10 =	vle.f32 v30, v29;
	v35 =	vmul.f32 v35, v34  }
0x142: {  	v56 =	vmul.f32 v42, v33;
	v41 =	vsub.f32 v40, v41;
	v48 =	vmin.f32 v23, v26  }
0x143: {  	v22 =	vsel vm10, v22, v58;
	vm11 =	vle.f32 v23, v26;
	v17 =	vsel vm8, v52, v17  }
0x144: {  	v20 =	vsel vm8, v20, v54;
	v52 =	vsub.f32 v48, v47;
	v21 =	vadd.f32 v35, v21  }
0x145: {  	v35 =	vsel vm8, v49, v28;
	v28 =	vsel vm8, $0x3F800000, v1;
	v36 =	vmul.f32 v56, v33  }
0x146: {  	v29 =	vsel vm10, v29, v51;
	v34 =	vadd.f32 v28, v34;
	v28 =	vadd.s32 $0x40, v27  }
0x147: {  	v15 =	vadd.f32 v36, v15;
	v36 =	vsel vm9, v53, v16;
	v16 =	vmul.f32 v41, v32  }
0x148: {  	v31 =	vsel vm11, v61, v31;
	v14 =	vsel vm11, v14, v63;
	v43 =	vadd.s32 $0x40, v22  }
0x149: {  	v49 =	vadd.f32 v60, v33;
	vm12 =	vle.f32 v17, v20;
	v16 =	vmul.f32 v16, v32  }
0x14a: {  	v60 =	vadd.s32 $0x40, v18;
	v24 =	vsel vm9, v24, v59;
	v42 =	vsel vm10, v28, v27;
	v53 =	vld.idx.msk [tilespmem:v63+s16+$0x0], $0xffff  }
0x14b: {  	v27 =	vmul.f32 v52, v19;
	v62 =	vld.idx.msk [tilespmem:v28+s15+$0x0], $0xffff;
	v12 =	vadd.f32 v16, v12;
	v16 =	vsel vm10, $0x3F800000, v1  }
0x14c: {  	v54 =	vadd.s32 $0x40, v35;
	v28 =	vmin.f32 v17, v20;
	v32 =	vadd.f32 v16, v32;
	v16 =	vld.idx.msk [tilespmem:v61+s15+$0x0], $0xffff  }
0x14d: {  	v58 =	vadd.s32 $0x40, v36;
	v27 =	vmul.f32 v27, v19;
	v44 =	vsub.f32 v28, v44  }
0x14e: {  	v56 =	vsel vm11, $0x3F800000, v1;
	v13 =	vsel vm12, v13, v55;
	v33 =	vmin.f32 v25, v24  }
0x14f: {  	v59 =	vld.idx.msk [tilespmem:v55+s16+$0x0], $0xffff;
	vm13 =	vle.f32 v25, v24;
	v11 =	vadd.f32 v27, v11;
	v27 =	vmul.f32 v44, v34  }
0x150: {  	v38 =	vsel vm12, v54, v35;
	v18 =	vsel vm13, v18, v60;
	v19 =	vadd.f32 v56, v19;
	v63 =	vld.idx.msk [tilespmem:v60+s16+$0x0], $0xffff  }
0x151: {  	v57 =	vld.idx.msk [tilespmem:v54+s15+$0x0], $0xffff;
	v26 =	vsel vm11, v26, v53;
	v23 =	vsel vm11, v16, v23;
	v16 =	vmul.f32 v27, v34  }
0x152: {  	v53 =	vadd.s32 $0x40, v14;
	v61 =	vld.idx.msk [tilespmem:v58+s15+$0x0], $0xffff;
	v30 =	vsel vm10, v62, v30;
	v27 =	vsub.f32 v33, v39  }
0x153: {  	v39 =	vadd.s32 $0x40, v42;
	v21 =	vadd.f32 v16, v21;
	v16 =	vsel vm12, $0x3F800000, v1  }
0x154: {  	v34 =	vadd.f32 v16, v34;
	v16 =	vmul.f32 v27, v49;
	v27 =	vmin.f32 v30, v29  }
0x155: {  	v37 =	vsel vm13, v58, v36;
	v62 =	vsub.f32 v27, v40;
	v40 =	vadd.s32 $0x40, v31  }
0x156: {  	v56 =	vsel vm13, $0x3F800000, v1;
	v20 =	vsel vm12, v20, v59;
	v17 =	vsel vm12, v57, v17;
	v57 =	vld.idx.msk [tilespmem:v43+s16+$0x0], $0xffff  }
0x157: {  	v24 =	vsel vm13, v24, v63;
	vm14 =	vle.f32 v30, v29;
	v60 =	vld.idx.msk [tilespmem:v53+s16+$0x0], $0xffff;
	v25 =	vsel vm13, v61, v25  }
0x158: {  	v36 =	vsel vm14, v39, v42;
	v52 =	vmul.f32 v16, v49;
	v16 =	vmin.f32 v23, v26  }
0x159: {  	v61 =	vsel vm14, $0x3F800000, v1;
	vm15 =	vle.f32 v23, v26;
	v54 =	vld.idx.msk [tilespmem:v39+s15+$0x0], $0xffff;
	v55 =	vsub.f32 v16, v48  }
0x15a: {  	p0 =	sne.s32 s21, $0x1;
	v22 =	vsel vm14, v22, v43;
	v14 =	vsel vm15, v14, v53;
	v35 =	vmul.f32 v62, v32;
	v58 =	vld.idx.msk [tilespmem:v40+s15+$0x0], $0xffff  }
.Ltmp1:
0x15b: {  	v63 =	vsel vm15, $0x3F800000, v1;
	v29 =	vsel vm14, v29, v57;
	v59 =	vmul.f32 v55, v19;
	(pc) =	sbr.rel @p0 .LBB2_5-.Ltmp1, $4  }
0x15c: {  	v31 =	vsel vm15, v40, v31;
	v26 =	vsel vm15, v26, v60;
	v50 =	vmul.f32 v35, v32  }
0x15d: {  	v15 =	vadd.f32 v52, v15;
	v35 =	vadd.f32 v56, v49;
	v62 =	vmul.f32 v59, v19  }
0x15e: {  	v32 =	vadd.f32 v61, v32;
	v12 =	vadd.f32 v50, v12;
	v30 =	vsel vm14, v54, v30  }
0x15f: {  	s21 =	sadd.s32 $0xFFFFFFFF, s21;
	v19 =	vadd.f32 v63, v19;
	v11 =	vadd.f32 v62, v11;
	v23 =	vsel vm15, v58, v23  }
0x160: {  	vm0 =	vlt.f32 v10, $0.0e+00;
	vm1 =	vgt.f32 v10, $0.0e+00  }
0x161: {  	vm2 =	vlt.f32 v8, $0.0e+00;
	vm3 =	vgt.f32 v8, $0.0e+00;
	vm15 =	vlt.f32 v9, $0.0e+00  }
0x162: {  	vm8 =	vgt.f32 v9, $0.0e+00;
	vm9 =	vlt.f32 v7, $0.0e+00;
	vm4 =	vgt.f32 v7, $0.0e+00  }
0x163: {  	vm12 =	vlt.f32 v6, $0.0e+00;
	vm13 =	vgt.f32 v6, $0.0e+00;
	vm0 =	vmor vm1, vm0  }
0x164: {  	vm14 =	vmor vm3, vm2;
	vm10 =	vmor vm8, vm15;
	vm11 =	vmor vm4, vm9  }
0x165: {  	vm15 =	vgt.f32 v5, $0.0e+00;
	vm8 =	vmor vm13, vm12;
	vm0 =	vmand vm0, vm14  }
0x166: {  	vm12 =	vlt.f32 v3, $0.0e+00;
	vm13 =	vgt.f32 v3, $0.0e+00;
	v62 =	vnsel vm0, $0x0, v21  }
0x167: {  	vm14 =	vlt.f32 v5, $0.0e+00;
	vm0 =	vmand vm10, vm11;
	v2 =	vadd.f32 v62, v2  }
0x168: {  	p0 =	sne.s32 s20, $0x10;
	vm9 =	vmor vm15, vm14;
	vm10 =	vlt.f32 v4, $0.0e+00;
	v63 =	vnsel vm0, $0x0, v15  }
.Ltmp2:
0x169: {  	vm11 =	vgt.f32 v4, $0.0e+00;
	vm0 =	vmand vm8, vm9;
	v2 =	vadd.f32 v63, v2;
	(pc) =	sbr.rel @p0 .LBB2_2-.Ltmp2, $4  }
0x16a: {  	vm15 =	vmor vm13, vm12;
	vm14 =	vmor vm11, vm10;
	v3 =	vnsel vm0, $0x0, v12  }
0x16b: {  	vm0 =	vmand vm14, vm15;
	v2 =	vadd.f32 v3, v2  }
0x16c: {  	v3 =	vnsel vm0, $0x0, v11  }
0x16d: {  	v2 =	vadd.f32 v3, v2  }
0x16e: {  	_ = 	snop  }
0x16f: {  	s19 =	sadd.s32 $0x1, s19;
	v2 =	vmul.f32 $1.000000110e-06, v2  }
0x170: {  	p0 =	sne.s32 s19, s9  }
.Ltmp3:
0x171: {  	[tilespmem:$0x14100] =	vst v2;
	(pc) =	sbr.rel @p0 .LBB2_1-.Ltmp3, $4  }
0x172: {  	[hbm4b:s8+s2] =	stream.linear.scatter [tilespmem:s17], [sflag:$0x3], $0x80, $0x38;
	[tilespmem:$0x14180] =	vst v63  }
0x173: {  	_ =	swait.ge [sflag:s18], $0x80  }
0x174: {  	[sflag:s18] =	ssyncset.done $0x0  }
0x175: {  	[sflag:s18] =	ssyncadd.s32 $0xFFFFFF80  }
0x176: {  	_ =	sfence.sel $0x180000  }
0x177: {  	[bflag:$0x0] =	sbarrier.arrive $0xFFFF  }
0x178: {  	p0 =	sne.s32 s1, $0x0;
	_ =	strace $0x90000047  }
0x179: {  	s0 =	sadd.s32 @!p0 $0x100000, s0;
	[bflag:$0x2] =	sbarrier.arrive $0xFFFF  }
0x17a: {  	[sflag:s0] =	ssyncadd.tile.s32 @!p0 $0x1;
	_ =	shalt  }
.Lfunc_end2:
_tile_overlayer_lowered:
.L_overlay_start_2:
0x17b: {  	(tag) =	ssettag $0x2  }
0x17c: {  	s0 =	rddreg [dreg:$0x0];
	s2 =	stileid.u32  }
0x17d: {  	s1 =	rddreg [dreg:$0x1];
	p0 =	sne.s32 s2, $0x0  }
0x17e: {  	s3 =	rddreg [dreg:$0x2];
	[bflag:$0x3] =	sbarrier.arrive $0xFFFF;
	s2 =	simm.s32 @!p0 $0x1C03  }
0x17f: {  	[timem:s3], [sflag:s2] =	dma.local @!p0 [hbm:s0], s1  }
0x180: {  	s0 =	simm.s32 @!p0 $0x3  }
0x181: {  	_ =	swait.ge @!p0 [sflag:s0], s1  }
0x182: {  	s1 =	ssub.s32 @!p0 $0x0, s1;
	[sflag:s0] =	ssyncset.done @!p0 $0x0  }
0x183: {  	[sflag:s0] =	ssyncadd.s32 @!p0 s1  }
0x184: {  	[bflag:$0x3] =	sbarrier.arrive $0xFFFF  }
0x185: {  	_ =	shalt  }

</sc_bundles>
